<compile_context>
chip_gen: v7x
topology: tpu7x:2x2x1
jax: 0.10.2.dev20260603
libtpu: 0.0.44.dev20260713+nightly
codegen_flags: <defaults>
</compile_context>

<pallas_src>
import functools

import numpy as np
import jax
import jax.numpy as jnp
from jax import lax
from jax.experimental import pallas as pl
from jax.experimental.pallas import tpu as pltpu
from jax.experimental.pallas import tpu_sc as plsc

_RATIO = 15
_CHUNK = 128

_idx_cache = {}


def _threefry2x32(k1, k2, c1, c2):
    k1 = np.uint32(k1)
    k2 = np.uint32(k2)
    c1 = np.asarray(c1, np.uint32)
    c2 = np.asarray(c2, np.uint32)
    ks = [k1, k2, np.uint32(k1 ^ k2 ^ np.uint32(0x1BD11BDA))]
    rot = [(13, 15, 26, 6), (17, 29, 16, 24)]
    x0 = (c1 + ks[0]).astype(np.uint32)
    x1 = (c2 + ks[1]).astype(np.uint32)
    for i in range(5):
        for r in rot[i % 2]:
            x0 = (x0 + x1).astype(np.uint32)
            x1 = ((x1 << np.uint32(r)) | (x1 >> np.uint32(32 - r))).astype(np.uint32)
            x1 = x0 ^ x1
        x0 = (x0 + ks[(i + 1) % 3]).astype(np.uint32)
        x1 = (x1 + ks[(i + 2) % 3] + np.uint32(i + 1)).astype(np.uint32)
    return x0, x1


def _split_np(key, n):
    hi = np.zeros(n, np.uint32)
    lo = np.arange(n, dtype=np.uint32)
    b1, b2 = _threefry2x32(key[0], key[1], hi, lo)
    return np.stack([b1, b2], axis=1)


def _random_bits32_np(key, n):
    hi = np.zeros(n, np.uint32)
    lo = np.arange(n, dtype=np.uint32)
    b1, b2 = _threefry2x32(key[0], key[1], hi, lo)
    return b1 ^ b2


def _permutation_np(key, S):
    x = np.arange(S, dtype=np.int32)
    num_rounds = int(np.ceil(3 * np.log(S) / np.log(np.iinfo(np.uint32).max)))
    for _ in range(num_rounds):
        ks = _split_np(key, 2)
        key, subkey = ks[0], ks[1]
        sort_keys = _random_bits32_np(subkey, S)
        x = x[np.argsort(sort_keys, kind="stable")]
    return x


def _keep_indices(B, C, S):
    cache_key = (B, C, S)
    if cache_key not in _idx_cache:
        n_keep = S - int(_RATIO / 30 * S)
        root = np.array([0, 42], np.uint32)
        keys = _split_np(root, B * C)
        perms = np.stack([_permutation_np(keys[i], S) for i in range(B * C)])
        idx_np = np.sort(perms[:, :n_keep], axis=1).astype(np.int32)
        flat = idx_np + np.arange(B * C, dtype=np.int32)[:, None] * S
        _idx_cache[cache_key] = (idx_np.reshape(B, C, n_keep),
                                 flat.reshape(-1))
    return _idx_cache[cache_key]


@functools.lru_cache(maxsize=None)
def _build_gather(n_rows, D):
    info = plsc.get_sparse_core_info()
    NC, NS = info.num_cores, info.num_subcores
    NW = NC * NS
    rows_per_w = n_rows // NW
    assert rows_per_w * NW == n_rows
    n_chunks = rows_per_w // _CHUNK
    assert n_chunks * _CHUNK == rows_per_w

    mesh = plsc.VectorSubcoreMesh(core_axis_name="c", subcore_axis_name="s")

    GPB = 2
    NBUF = 3
    BROWS = GPB * _CHUNK
    n_bufs = n_chunks // GPB
    assert n_bufs % NBUF == 0
    n_rounds = n_bufs // NBUF

    @functools.partial(
        pl.kernel,
        mesh=mesh,
        out_type=jax.ShapeDtypeStruct((n_rows, D), jnp.float32),
        scratch_types=[
            pltpu.VMEM((n_chunks, _CHUNK), jnp.int32),
            pltpu.VMEM((NBUF, BROWS, D), jnp.float32),
        ] + [pltpu.SemaphoreType.DMA] * (2 * NBUF),
    )
    def gather(table_h, idx_h, out_h, idx_v, rows_v, *sems):
        gsem = sems[:NBUF]
        ssem = sems[NBUF:]
        wid = lax.axis_index("s") * NC + lax.axis_index("c")
        pltpu.sync_copy(idx_h.at[wid], idx_v)
        base = wid * rows_per_w

        def fill(b, f):
            for h in range(GPB):
                pltpu.async_copy(table_h.at[idx_v.at[GPB * f + h]],
                                 rows_v.at[b, pl.ds(h * _CHUNK, _CHUNK)],
                                 gsem[b])

        def fill_drain(b, f):
            for h in range(GPB):
                pltpu.make_async_copy(table_h.at[idx_v.at[GPB * f + h]],
                                      rows_v.at[b, pl.ds(h * _CHUNK, _CHUNK)],
                                      gsem[b]).wait()

        def scat_start(b, f):
            pltpu.async_copy(rows_v.at[b],
                             out_h.at[pl.ds(base + f * BROWS, BROWS)],
                             ssem[b])

        def scat_drain(b, f):
            pltpu.make_async_copy(rows_v.at[b],
                                  out_h.at[pl.ds(base + f * BROWS, BROWS)],
                                  ssem[b]).wait()

        fill(0, 0)
        fill(1, 1)

        def step(r, carry):
            f0 = NBUF * r
            for k in range(NBUF):
                f = f0 + k
                b2 = (k + 2) % NBUF
                fill_drain(k, f)
                scat_start(k, f)

                @pl.when((f >= 1) & (f + 2 < n_bufs))
                def _():
                    scat_drain(b2, f - 1)

                @pl.when(f + 2 < n_bufs)
                def _():
                    fill(b2, f + 2)

            return carry

        lax.fori_loop(0, n_rounds, step, 0)

        for k in range(NBUF):
            scat_drain(k, n_bufs - NBUF + k)

    return gather, NW, n_chunks


def kernel(patches):
    B, C, S, D = patches.shape
    idx3, flat_idx = _keep_indices(B, C, S)
    n_rows = flat_idx.shape[0]
    gather, NW, n_chunks = _build_gather(n_rows, D)

    table = patches.reshape(B * C * S, D)
    idx_in = jnp.asarray(flat_idx.reshape(NW, n_chunks, _CHUNK))
    out = gather(table, idx_in)
    n_keep = n_rows // (B * C)
    return out.reshape(B, C, n_keep, D), jnp.asarray(idx3)

# --- scband reference (transcript-rebuilt; emitter-appended) ---
"""Pipeline reference for scband-patch-shuffle-82746839924893 (READ-ONLY COPY).

The authoritative reference and input builder live on the scoring server;
editing this copy changes nothing except your own understanding.
"""

import jax, jax.numpy as jnp
import numpy as np

RATIO = 15

def setup_inputs(seed: int = 0) -> dict:
    key = jax.random.key(seed)
    patches = jax.random.normal(key, (16, 12, 2048, 128), dtype=jnp.float32)
    return {"patches": patches}

def reference(patches):
    B, C, S, D = patches.shape
    num_patches_to_mask = int(RATIO / 30 * S)
    num_patches_to_unmask = S - num_patches_to_mask
    # per-(batch, channel) random subset of patch indices to keep.
    # torch version samples without replacement then gathers via a boolean mask,
    # which yields patches in ascending index order -> permutation + sort here.
    key = jax.random.key(42)
    keys = jax.random.split(key, B * C)
    perms = jax.vmap(lambda k: jax.random.permutation(k, S))(keys)
    idx = jnp.sort(perms[:, :num_patches_to_unmask], axis=-1).reshape(B, C, num_patches_to_unmask)
    unmasked_data = jnp.take_along_axis(patches, idx[..., None], axis=2)
    unmasked_data = unmasked_data.reshape(B, C, num_patches_to_unmask, patches.shape[-1])
    return unmasked_data, idx

if __name__ == "__main__":
    import jax
    _d = setup_inputs()
    print(jax.jit(kernel)(*tuple(_d.values())))

</pallas_src>

<mosaic_0001>
#map = affine_map<(d0, d1) -> (0, 0)>
#map1 = affine_map<(d0, d1) -> (0, 0, 0)>
module attributes {stable_mosaic.version = 14 : i64} {
  func.func @gather(%arg0: i32, %arg1: i32, %arg2: memref<393216x128xf32, #tpu.memory_space<hbm>>, %arg3: memref<32x48x128xi32, #tpu.memory_space<hbm>>, %arg4: memref<196608x128xf32, #tpu.memory_space<hbm>>, %arg5: memref<48x128xi32, #tpu.memory_space<vmem>>, %arg6: memref<3x256x128xf32, #tpu.memory_space<vmem>>, %arg7: memref<!tpu.dma_semaphore, #tpu.memory_space<semaphore_mem>>, %arg8: memref<!tpu.dma_semaphore, #tpu.memory_space<semaphore_mem>>, %arg9: memref<!tpu.dma_semaphore, #tpu.memory_space<semaphore_mem>>, %arg10: memref<!tpu.dma_semaphore, #tpu.memory_space<semaphore_mem>>, %arg11: memref<!tpu.dma_semaphore, #tpu.memory_space<semaphore_mem>>, %arg12: memref<!tpu.dma_semaphore, #tpu.memory_space<semaphore_mem>>) attributes {dimension_semantics = [#tpu.dimension_semantics<core_parallel>, #tpu.dimension_semantics<subcore_parallel>], iteration_bounds = array<i64: 2, 16>, scalar_prefetch = 0 : i64, scratch_operands = 8 : i64, tpu.core_type = #tpu.core_type<sc_vector_subcore>, window_params = [{transform_indices = #map}, {transform_indices = #map1}, {transform_indices = #map}]} {
    %mul3A = arith.constant 2 : i32
    %mul3A_0 = arith.muli %arg1, %mul3A : i32
    %add3A = arith.addi %mul3A_0, %arg0 : i32
    "tpu.region"() ({
      %run_scoped3A = tpu.sem_alloc : memref<!tpu.dma_semaphore, #tpu.memory_space<semaphore_mem>>
      %dma_start3A_99 = arith.constant 0 : i32
      %dma_start3A_100 = arith.constant 0 : i32
      %dma_start3A_101 = tpu.memref_slice %arg3[%add3A, %dma_start3A_99, %dma_start3A_100] : memref<32x48x128xi32, #tpu.memory_space<hbm>> -> memref<1x48x128xi32, #tpu.memory_space<hbm>>
      %dma_start3A_102 = tpu.memref_squeeze %dma_start3A_101 : memref<1x48x128xi32, #tpu.memory_space<hbm>> -> memref<48x128xi32, #tpu.memory_space<hbm>>
      %dma_start3A_103 = arith.constant 0 : i32
      %dma_start3A_104 = arith.constant 0 : i32
      %dma_start3A_105 = tpu.memref_slice %arg3[%add3A, %dma_start3A_103, %dma_start3A_104] : memref<32x48x128xi32, #tpu.memory_space<hbm>> -> memref<1x48x128xi32, #tpu.memory_space<hbm>>
      %dma_start3A_106 = tpu.memref_squeeze %dma_start3A_105 : memref<1x48x128xi32, #tpu.memory_space<hbm>> -> memref<48x128xi32, #tpu.memory_space<hbm>>
      tpu.enqueue_dma source(%dma_start3A_106 : memref<48x128xi32, #tpu.memory_space<hbm>>) target(%arg5 : memref<48x128xi32, #tpu.memory_space<vmem>>) target_semaphore(%run_scoped3A : memref<!tpu.dma_semaphore, #tpu.memory_space<semaphore_mem>>)
      %dma_wait3A_107 = arith.constant 0 : i32
      %dma_wait3A_108 = arith.constant 0 : i32
      %dma_wait3A_109 = tpu.memref_slice %arg3[%add3A, %dma_wait3A_107, %dma_wait3A_108] : memref<32x48x128xi32, #tpu.memory_space<hbm>> -> memref<1x48x128xi32, #tpu.memory_space<hbm>>
      %dma_wait3A_110 = tpu.memref_squeeze %dma_wait3A_109 : memref<1x48x128xi32, #tpu.memory_space<hbm>> -> memref<48x128xi32, #tpu.memory_space<hbm>>
      %dma_wait3A_111 = arith.constant 0 : i32
      %dma_wait3A_112 = arith.constant 0 : i32
      %dma_wait3A_113 = tpu.memref_slice %arg3[%add3A, %dma_wait3A_111, %dma_wait3A_112] : memref<32x48x128xi32, #tpu.memory_space<hbm>> -> memref<1x48x128xi32, #tpu.memory_space<hbm>>
      %dma_wait3A_114 = tpu.memref_squeeze %dma_wait3A_113 : memref<1x48x128xi32, #tpu.memory_space<hbm>> -> memref<48x128xi32, #tpu.memory_space<hbm>>
      tpu.wait_dma2 semaphore(%run_scoped3A : memref<!tpu.dma_semaphore, #tpu.memory_space<semaphore_mem>>) src(%dma_wait3A_114 : memref<48x128xi32, #tpu.memory_space<hbm>>) dst(%arg5 : memref<48x128xi32, #tpu.memory_space<vmem>>)
      tpu.yield
    }) : () -> ()
    %mul3A_1 = arith.constant 6144 : i32
    %mul3A_2 = arith.muli %add3A, %mul3A_1 : i32
    %dma_start3A = arith.constant 0 : i32
    %dma_start3A_3 = arith.constant 0 : i32
    %dma_start3A_4 = arith.constant 0 : i32
    %dma_start3A_5 = arith.constant 0 : i32
    %dma_start3A_6 = tpu.memref_slice %arg6[%dma_start3A_3, %dma_start3A_4, %dma_start3A_5] : memref<3x256x128xf32, #tpu.memory_space<vmem>> -> memref<1x128x128xf32, #tpu.memory_space<vmem>>
    %dma_start3A_7 = tpu.memref_squeeze %dma_start3A_6 : memref<1x128x128xf32, #tpu.memory_space<vmem>> -> memref<128x128xf32, #tpu.memory_space<vmem>>
    %dma_start3A_8 = arith.constant 0 : i32
    %dma_start3A_9 = tpu.memref_slice %arg5[%dma_start3A, %dma_start3A_8] : memref<48x128xi32, #tpu.memory_space<vmem>> -> memref<1x128xi32, #tpu.memory_space<vmem>>
    %dma_start3A_10 = tpu.memref_squeeze %dma_start3A_9 : memref<1x128xi32, #tpu.memory_space<vmem>> -> memref<128xi32, #tpu.memory_space<vmem>>
    %dma_start3A_11 = arith.constant 0 : i32
    %dma_start3A_12 = arith.constant 0 : i32
    %dma_start3A_13 = tpu.memref_slice %arg2[%dma_start3A_11, %dma_start3A_12] : memref<393216x128xf32, #tpu.memory_space<hbm>> -> memref<393216x128xf32, #tpu.memory_space<hbm>>
    tpu.enqueue_indirect_dma source(%dma_start3A_13 : memref<393216x128xf32, #tpu.memory_space<hbm>>) target(%dma_start3A_7 : memref<128x128xf32, #tpu.memory_space<vmem>>) offsets(%dma_start3A_10 : memref<128xi32, #tpu.memory_space<vmem>>) semaphore(%arg7 : memref<!tpu.dma_semaphore, #tpu.memory_space<semaphore_mem>>)
    %dma_start3A_14 = arith.constant 1 : i32
    %dma_start3A_15 = arith.constant 0 : i32
    %dma_start3A_16 = arith.constant 128 : i32
    %dma_start3A_17 = arith.constant 0 : i32
    %dma_start3A_18 = tpu.memref_slice %arg6[%dma_start3A_15, %dma_start3A_16, %dma_start3A_17] : memref<3x256x128xf32, #tpu.memory_space<vmem>> -> memref<1x128x128xf32, #tpu.memory_space<vmem>>
    %dma_start3A_19 = tpu.memref_squeeze %dma_start3A_18 : memref<1x128x128xf32, #tpu.memory_space<vmem>> -> memref<128x128xf32, #tpu.memory_space<vmem>>
    %dma_start3A_20 = arith.constant 0 : i32
    %dma_start3A_21 = tpu.memref_slice %arg5[%dma_start3A_14, %dma_start3A_20] : memref<48x128xi32, #tpu.memory_space<vmem>> -> memref<1x128xi32, #tpu.memory_space<vmem>>
    %dma_start3A_22 = tpu.memref_squeeze %dma_start3A_21 : memref<1x128xi32, #tpu.memory_space<vmem>> -> memref<128xi32, #tpu.memory_space<vmem>>
    %dma_start3A_23 = arith.constant 0 : i32
    %dma_start3A_24 = arith.constant 0 : i32
    %dma_start3A_25 = tpu.memref_slice %arg2[%dma_start3A_23, %dma_start3A_24] : memref<393216x128xf32, #tpu.memory_space<hbm>> -> memref<393216x128xf32, #tpu.memory_space<hbm>>
    tpu.enqueue_indirect_dma source(%dma_start3A_25 : memref<393216x128xf32, #tpu.memory_space<hbm>>) target(%dma_start3A_19 : memref<128x128xf32, #tpu.memory_space<vmem>>) offsets(%dma_start3A_22 : memref<128xi32, #tpu.memory_space<vmem>>) semaphore(%arg7 : memref<!tpu.dma_semaphore, #tpu.memory_space<semaphore_mem>>)
    %dma_start3A_26 = arith.constant 2 : i32
    %dma_start3A_27 = arith.constant 1 : i32
    %dma_start3A_28 = arith.constant 0 : i32
    %dma_start3A_29 = arith.constant 0 : i32
    %dma_start3A_30 = tpu.memref_slice %arg6[%dma_start3A_27, %dma_start3A_28, %dma_start3A_29] : memref<3x256x128xf32, #tpu.memory_space<vmem>> -> memref<1x128x128xf32, #tpu.memory_space<vmem>>
    %dma_start3A_31 = tpu.memref_squeeze %dma_start3A_30 : memref<1x128x128xf32, #tpu.memory_space<vmem>> -> memref<128x128xf32, #tpu.memory_space<vmem>>
    %dma_start3A_32 = arith.constant 0 : i32
    %dma_start3A_33 = tpu.memref_slice %arg5[%dma_start3A_26, %dma_start3A_32] : memref<48x128xi32, #tpu.memory_space<vmem>> -> memref<1x128xi32, #tpu.memory_space<vmem>>
    %dma_start3A_34 = tpu.memref_squeeze %dma_start3A_33 : memref<1x128xi32, #tpu.memory_space<vmem>> -> memref<128xi32, #tpu.memory_space<vmem>>
    %dma_start3A_35 = arith.constant 0 : i32
    %dma_start3A_36 = arith.constant 0 : i32
    %dma_start3A_37 = tpu.memref_slice %arg2[%dma_start3A_35, %dma_start3A_36] : memref<393216x128xf32, #tpu.memory_space<hbm>> -> memref<393216x128xf32, #tpu.memory_space<hbm>>
    tpu.enqueue_indirect_dma source(%dma_start3A_37 : memref<393216x128xf32, #tpu.memory_space<hbm>>) target(%dma_start3A_31 : memref<128x128xf32, #tpu.memory_space<vmem>>) offsets(%dma_start3A_34 : memref<128xi32, #tpu.memory_space<vmem>>) semaphore(%arg8 : memref<!tpu.dma_semaphore, #tpu.memory_space<semaphore_mem>>)
    %dma_start3A_38 = arith.constant 3 : i32
    %dma_start3A_39 = arith.constant 1 : i32
    %dma_start3A_40 = arith.constant 128 : i32
    %dma_start3A_41 = arith.constant 0 : i32
    %dma_start3A_42 = tpu.memref_slice %arg6[%dma_start3A_39, %dma_start3A_40, %dma_start3A_41] : memref<3x256x128xf32, #tpu.memory_space<vmem>> -> memref<1x128x128xf32, #tpu.memory_space<vmem>>
    %dma_start3A_43 = tpu.memref_squeeze %dma_start3A_42 : memref<1x128x128xf32, #tpu.memory_space<vmem>> -> memref<128x128xf32, #tpu.memory_space<vmem>>
    %dma_start3A_44 = arith.constant 0 : i32
    %dma_start3A_45 = tpu.memref_slice %arg5[%dma_start3A_38, %dma_start3A_44] : memref<48x128xi32, #tpu.memory_space<vmem>> -> memref<1x128xi32, #tpu.memory_space<vmem>>
    %dma_start3A_46 = tpu.memref_squeeze %dma_start3A_45 : memref<1x128xi32, #tpu.memory_space<vmem>> -> memref<128xi32, #tpu.memory_space<vmem>>
    %dma_start3A_47 = arith.constant 0 : i32
    %dma_start3A_48 = arith.constant 0 : i32
    %dma_start3A_49 = tpu.memref_slice %arg2[%dma_start3A_47, %dma_start3A_48] : memref<393216x128xf32, #tpu.memory_space<hbm>> -> memref<393216x128xf32, #tpu.memory_space<hbm>>
    tpu.enqueue_indirect_dma source(%dma_start3A_49 : memref<393216x128xf32, #tpu.memory_space<hbm>>) target(%dma_start3A_43 : memref<128x128xf32, #tpu.memory_space<vmem>>) offsets(%dma_start3A_46 : memref<128xi32, #tpu.memory_space<vmem>>) semaphore(%arg8 : memref<!tpu.dma_semaphore, #tpu.memory_space<semaphore_mem>>)
    %scan3A = arith.constant 0 : i32
    %scan3A_50 = arith.constant 0 : i32
    %scan3A_51 = arith.constant 8 : i32
    %scan3A_52 = arith.addi %scan3A_50, %scan3A_51 : i32
    %scan3A_53 = arith.constant 1 : i32
    scf.for %scan3A_99 = %scan3A_50 to %scan3A_52 step %scan3A_53  : i32 {
      %mul3A_100 = arith.constant 3 : i32
      %mul3A_101 = arith.muli %mul3A_100, %scan3A_99 : i32
      %add3A_102 = arith.constant 0 : i32
      %add3A_103 = arith.addi %mul3A_101, %add3A_102 : i32
      %mul3A_104 = arith.constant 2 : i32
      %mul3A_105 = arith.muli %mul3A_104, %add3A_103 : i32
      %add3A_106 = arith.constant 0 : i32
      %add3A_107 = arith.addi %mul3A_105, %add3A_106 : i32
      %dma_wait3A_108 = arith.constant 0 : i32
      %dma_wait3A_109 = arith.constant 0 : i32
      %dma_wait3A_110 = arith.constant 0 : i32
      %dma_wait3A_111 = tpu.memref_slice %arg6[%dma_wait3A_108, %dma_wait3A_109, %dma_wait3A_110] : memref<3x256x128xf32, #tpu.memory_space<vmem>> -> memref<1x128x128xf32, #tpu.memory_space<vmem>>
      %dma_wait3A_112 = tpu.memref_squeeze %dma_wait3A_111 : memref<1x128x128xf32, #tpu.memory_space<vmem>> -> memref<128x128xf32, #tpu.memory_space<vmem>>
      %dma_wait3A_113 = arith.constant 0 : i32
      %dma_wait3A_114 = tpu.memref_slice %arg5[%add3A_107, %dma_wait3A_113] : memref<48x128xi32, #tpu.memory_space<vmem>> -> memref<1x128xi32, #tpu.memory_space<vmem>>
      %dma_wait3A_115 = tpu.memref_squeeze %dma_wait3A_114 : memref<1x128xi32, #tpu.memory_space<vmem>> -> memref<128xi32, #tpu.memory_space<vmem>>
      %dma_wait3A_116 = arith.constant 0 : i32
      %dma_wait3A_117 = arith.constant 0 : i32
      %dma_wait3A_118 = tpu.memref_slice %arg2[%dma_wait3A_116, %dma_wait3A_117] : memref<393216x128xf32, #tpu.memory_space<hbm>> -> memref<393216x128xf32, #tpu.memory_space<hbm>>
      tpu.wait_indirect_dma semaphore(%arg7 : memref<!tpu.dma_semaphore, #tpu.memory_space<semaphore_mem>>) src(%dma_wait3A_118 : memref<393216x128xf32, #tpu.memory_space<hbm>>) dst(%dma_wait3A_112 : memref<128x128xf32, #tpu.memory_space<vmem>>)
      %mul3A_119 = arith.constant 2 : i32
      %mul3A_120 = arith.muli %mul3A_119, %add3A_103 : i32
      %add3A_121 = arith.constant 1 : i32
      %add3A_122 = arith.addi %mul3A_120, %add3A_121 : i32
      %dma_wait3A_123 = arith.constant 0 : i32
      %dma_wait3A_124 = arith.constant 128 : i32
      %dma_wait3A_125 = arith.constant 0 : i32
      %dma_wait3A_126 = tpu.memref_slice %arg6[%dma_wait3A_123, %dma_wait3A_124, %dma_wait3A_125] : memref<3x256x128xf32, #tpu.memory_space<vmem>> -> memref<1x128x128xf32, #tpu.memory_space<vmem>>
      %dma_wait3A_127 = tpu.memref_squeeze %dma_wait3A_126 : memref<1x128x128xf32, #tpu.memory_space<vmem>> -> memref<128x128xf32, #tpu.memory_space<vmem>>
      %dma_wait3A_128 = arith.constant 0 : i32
      %dma_wait3A_129 = tpu.memref_slice %arg5[%add3A_122, %dma_wait3A_128] : memref<48x128xi32, #tpu.memory_space<vmem>> -> memref<1x128xi32, #tpu.memory_space<vmem>>
      %dma_wait3A_130 = tpu.memref_squeeze %dma_wait3A_129 : memref<1x128xi32, #tpu.memory_space<vmem>> -> memref<128xi32, #tpu.memory_space<vmem>>
      %dma_wait3A_131 = arith.constant 0 : i32
      %dma_wait3A_132 = arith.constant 0 : i32
      %dma_wait3A_133 = tpu.memref_slice %arg2[%dma_wait3A_131, %dma_wait3A_132] : memref<393216x128xf32, #tpu.memory_space<hbm>> -> memref<393216x128xf32, #tpu.memory_space<hbm>>
      tpu.wait_indirect_dma semaphore(%arg7 : memref<!tpu.dma_semaphore, #tpu.memory_space<semaphore_mem>>) src(%dma_wait3A_133 : memref<393216x128xf32, #tpu.memory_space<hbm>>) dst(%dma_wait3A_127 : memref<128x128xf32, #tpu.memory_space<vmem>>)
      %mul3A_134 = arith.constant 256 : i32
      %mul3A_135 = arith.muli %add3A_103, %mul3A_134 : i32
      %add3A_136 = arith.addi %mul3A_2, %mul3A_135 : i32
      %dma_start3A_137 = arith.constant 0 : i32
      %dma_start3A_138 = arith.constant 0 : i32
      %dma_start3A_139 = arith.constant 0 : i32
      %dma_start3A_140 = tpu.memref_slice %arg6[%dma_start3A_137, %dma_start3A_138, %dma_start3A_139] : memref<3x256x128xf32, #tpu.memory_space<vmem>> -> memref<1x256x128xf32, #tpu.memory_space<vmem>>
      %dma_start3A_141 = tpu.memref_squeeze %dma_start3A_140 : memref<1x256x128xf32, #tpu.memory_space<vmem>> -> memref<256x128xf32, #tpu.memory_space<vmem>>
      %dma_start3A_142 = arith.constant 0 : i32
      %dma_start3A_143 = tpu.memref_slice %arg4[%add3A_136, %dma_start3A_142] : memref<196608x128xf32, #tpu.memory_space<hbm>> -> memref<256x128xf32, #tpu.memory_space<hbm>>
      %dma_start3A_144 = arith.constant 0 : i32
      %dma_start3A_145 = tpu.memref_slice %arg4[%add3A_136, %dma_start3A_144] : memref<196608x128xf32, #tpu.memory_space<hbm>> -> memref<256x128xf32, #tpu.memory_space<hbm>>
      %dma_start3A_146 = arith.constant 0 : i32
      %dma_start3A_147 = arith.constant 0 : i32
      %dma_start3A_148 = tpu.memref_slice %arg6[%dma_start3A_137, %dma_start3A_146, %dma_start3A_147] : memref<3x256x128xf32, #tpu.memory_space<vmem>> -> memref<1x256x128xf32, #tpu.memory_space<vmem>>
      %dma_start3A_149 = tpu.memref_squeeze %dma_start3A_148 : memref<1x256x128xf32, #tpu.memory_space<vmem>> -> memref<256x128xf32, #tpu.memory_space<vmem>>
      tpu.enqueue_dma source(%dma_start3A_149 : memref<256x128xf32, #tpu.memory_space<vmem>>) target(%dma_start3A_145 : memref<256x128xf32, #tpu.memory_space<hbm>>) target_semaphore(%arg10 : memref<!tpu.dma_semaphore, #tpu.memory_space<semaphore_mem>>)
      %ge3A = arith.constant 1 : i32
      %ge3A_150 = arith.cmpi sge, %add3A_103, %ge3A : i32
      %add3A_151 = arith.constant 2 : i32
      %add3A_152 = arith.addi %add3A_103, %add3A_151 : i32
      %lt3A = arith.constant 24 : i32
      %lt3A_153 = arith.cmpi slt, %add3A_152, %lt3A : i32
      %and3A = arith.andi %ge3A_150, %lt3A_153 : i1
      %convert_element_type3A = arith.extui %and3A : i1 to i32
      %cond3A = arith.constant 0 : i32
      %cond3A_154 = arith.cmpi ne, %convert_element_type3A, %cond3A : i32
      scf.if %cond3A_154 {
        %sub3A = arith.constant 1 : i32
        %sub3A_292 = arith.subi %add3A_103, %sub3A : i32
        %mul3A_293 = arith.constant 256 : i32
        %mul3A_294 = arith.muli %sub3A_292, %mul3A_293 : i32
        %add3A_295 = arith.addi %mul3A_2, %mul3A_294 : i32
        %dma_wait3A_296 = arith.constant 2 : i32
        %dma_wait3A_297 = arith.constant 0 : i32
        %dma_wait3A_298 = arith.constant 0 : i32
        %dma_wait3A_299 = tpu.memref_slice %arg6[%dma_wait3A_296, %dma_wait3A_297, %dma_wait3A_298] : memref<3x256x128xf32, #tpu.memory_space<vmem>> -> memref<1x256x128xf32, #tpu.memory_space<vmem>>
        %dma_wait3A_300 = tpu.memref_squeeze %dma_wait3A_299 : memref<1x256x128xf32, #tpu.memory_space<vmem>> -> memref<256x128xf32, #tpu.memory_space<vmem>>
        %dma_wait3A_301 = arith.constant 0 : i32
        %dma_wait3A_302 = tpu.memref_slice %arg4[%add3A_295, %dma_wait3A_301] : memref<196608x128xf32, #tpu.memory_space<hbm>> -> memref<256x128xf32, #tpu.memory_space<hbm>>
        %dma_wait3A_303 = arith.constant 0 : i32
        %dma_wait3A_304 = tpu.memref_slice %arg4[%add3A_295, %dma_wait3A_303] : memref<196608x128xf32, #tpu.memory_space<hbm>> -> memref<256x128xf32, #tpu.memory_space<hbm>>
        %dma_wait3A_305 = arith.constant 0 : i32
        %dma_wait3A_306 = arith.constant 0 : i32
        %dma_wait3A_307 = tpu.memref_slice %arg6[%dma_wait3A_296, %dma_wait3A_305, %dma_wait3A_306] : memref<3x256x128xf32, #tpu.memory_space<vmem>> -> memref<1x256x128xf32, #tpu.memory_space<vmem>>
        %dma_wait3A_308 = tpu.memref_squeeze %dma_wait3A_307 : memref<1x256x128xf32, #tpu.memory_space<vmem>> -> memref<256x128xf32, #tpu.memory_space<vmem>>
        tpu.wait_dma2 semaphore(%arg12 : memref<!tpu.dma_semaphore, #tpu.memory_space<semaphore_mem>>) src(%dma_wait3A_308 : memref<256x128xf32, #tpu.memory_space<vmem>>) dst(%dma_wait3A_304 : memref<256x128xf32, #tpu.memory_space<hbm>>)
      } else {
      }
      %add3A_155 = arith.constant 2 : i32
      %add3A_156 = arith.addi %add3A_103, %add3A_155 : i32
      %lt3A_157 = arith.constant 24 : i32
      %lt3A_158 = arith.cmpi slt, %add3A_156, %lt3A_157 : i32
      %convert_element_type3A_159 = arith.extui %lt3A_158 : i1 to i32
      %cond3A_160 = arith.constant 0 : i32
      %cond3A_161 = arith.cmpi ne, %convert_element_type3A_159, %cond3A_160 : i32
      scf.if %cond3A_161 {
        %add3A_292 = arith.constant 2 : i32
        %add3A_293 = arith.addi %add3A_103, %add3A_292 : i32
        %mul3A_294 = arith.constant 2 : i32
        %mul3A_295 = arith.muli %mul3A_294, %add3A_293 : i32
        %add3A_296 = arith.constant 0 : i32
        %add3A_297 = arith.addi %mul3A_295, %add3A_296 : i32
        %dma_start3A_298 = arith.constant 2 : i32
        %dma_start3A_299 = arith.constant 0 : i32
        %dma_start3A_300 = arith.constant 0 : i32
        %dma_start3A_301 = tpu.memref_slice %arg6[%dma_start3A_298, %dma_start3A_299, %dma_start3A_300] : memref<3x256x128xf32, #tpu.memory_space<vmem>> -> memref<1x128x128xf32, #tpu.memory_space<vmem>>
        %dma_start3A_302 = tpu.memref_squeeze %dma_start3A_301 : memref<1x128x128xf32, #tpu.memory_space<vmem>> -> memref<128x128xf32, #tpu.memory_space<vmem>>
        %dma_start3A_303 = arith.constant 0 : i32
        %dma_start3A_304 = tpu.memref_slice %arg5[%add3A_297, %dma_start3A_303] : memref<48x128xi32, #tpu.memory_space<vmem>> -> memref<1x128xi32, #tpu.memory_space<vmem>>
        %dma_start3A_305 = tpu.memref_squeeze %dma_start3A_304 : memref<1x128xi32, #tpu.memory_space<vmem>> -> memref<128xi32, #tpu.memory_space<vmem>>
        %dma_start3A_306 = arith.constant 0 : i32
        %dma_start3A_307 = arith.constant 0 : i32
        %dma_start3A_308 = tpu.memref_slice %arg2[%dma_start3A_306, %dma_start3A_307] : memref<393216x128xf32, #tpu.memory_space<hbm>> -> memref<393216x128xf32, #tpu.memory_space<hbm>>
        tpu.enqueue_indirect_dma source(%dma_start3A_308 : memref<393216x128xf32, #tpu.memory_space<hbm>>) target(%dma_start3A_302 : memref<128x128xf32, #tpu.memory_space<vmem>>) offsets(%dma_start3A_305 : memref<128xi32, #tpu.memory_space<vmem>>) semaphore(%arg9 : memref<!tpu.dma_semaphore, #tpu.memory_space<semaphore_mem>>)
        %mul3A_309 = arith.constant 2 : i32
        %mul3A_310 = arith.muli %mul3A_309, %add3A_293 : i32
        %add3A_311 = arith.constant 1 : i32
        %add3A_312 = arith.addi %mul3A_310, %add3A_311 : i32
        %dma_start3A_313 = arith.constant 2 : i32
        %dma_start3A_314 = arith.constant 128 : i32
        %dma_start3A_315 = arith.constant 0 : i32
        %dma_start3A_316 = tpu.memref_slice %arg6[%dma_start3A_313, %dma_start3A_314, %dma_start3A_315] : memref<3x256x128xf32, #tpu.memory_space<vmem>> -> memref<1x128x128xf32, #tpu.memory_space<vmem>>
        %dma_start3A_317 = tpu.memref_squeeze %dma_start3A_316 : memref<1x128x128xf32, #tpu.memory_space<vmem>> -> memref<128x128xf32, #tpu.memory_space<vmem>>
        %dma_start3A_318 = arith.constant 0 : i32
        %dma_start3A_319 = tpu.memref_slice %arg5[%add3A_312, %dma_start3A_318] : memref<48x128xi32, #tpu.memory_space<vmem>> -> memref<1x128xi32, #tpu.memory_space<vmem>>
        %dma_start3A_320 = tpu.memref_squeeze %dma_start3A_319 : memref<1x128xi32, #tpu.memory_space<vmem>> -> memref<128xi32, #tpu.memory_space<vmem>>
        %dma_start3A_321 = arith.constant 0 : i32
        %dma_start3A_322 = arith.constant 0 : i32
        %dma_start3A_323 = tpu.memref_slice %arg2[%dma_start3A_321, %dma_start3A_322] : memref<393216x128xf32, #tpu.memory_space<hbm>> -> memref<393216x128xf32, #tpu.memory_space<hbm>>
        tpu.enqueue_indirect_dma source(%dma_start3A_323 : memref<393216x128xf32, #tpu.memory_space<hbm>>) target(%dma_start3A_317 : memref<128x128xf32, #tpu.memory_space<vmem>>) offsets(%dma_start3A_320 : memref<128xi32, #tpu.memory_space<vmem>>) semaphore(%arg9 : memref<!tpu.dma_semaphore, #tpu.memory_space<semaphore_mem>>)
      } else {
      }
      %add3A_162 = arith.constant 1 : i32
      %add3A_163 = arith.addi %mul3A_101, %add3A_162 : i32
      %mul3A_164 = arith.constant 2 : i32
      %mul3A_165 = arith.muli %mul3A_164, %add3A_163 : i32
      %add3A_166 = arith.constant 0 : i32
      %add3A_167 = arith.addi %mul3A_165, %add3A_166 : i32
      %dma_wait3A_168 = arith.constant 1 : i32
      %dma_wait3A_169 = arith.constant 0 : i32
      %dma_wait3A_170 = arith.constant 0 : i32
      %dma_wait3A_171 = tpu.memref_slice %arg6[%dma_wait3A_168, %dma_wait3A_169, %dma_wait3A_170] : memref<3x256x128xf32, #tpu.memory_space<vmem>> -> memref<1x128x128xf32, #tpu.memory_space<vmem>>
      %dma_wait3A_172 = tpu.memref_squeeze %dma_wait3A_171 : memref<1x128x128xf32, #tpu.memory_space<vmem>> -> memref<128x128xf32, #tpu.memory_space<vmem>>
      %dma_wait3A_173 = arith.constant 0 : i32
      %dma_wait3A_174 = tpu.memref_slice %arg5[%add3A_167, %dma_wait3A_173] : memref<48x128xi32, #tpu.memory_space<vmem>> -> memref<1x128xi32, #tpu.memory_space<vmem>>
      %dma_wait3A_175 = tpu.memref_squeeze %dma_wait3A_174 : memref<1x128xi32, #tpu.memory_space<vmem>> -> memref<128xi32, #tpu.memory_space<vmem>>
      %dma_wait3A_176 = arith.constant 0 : i32
      %dma_wait3A_177 = arith.constant 0 : i32
      %dma_wait3A_178 = tpu.memref_slice %arg2[%dma_wait3A_176, %dma_wait3A_177] : memref<393216x128xf32, #tpu.memory_space<hbm>> -> memref<393216x128xf32, #tpu.memory_space<hbm>>
      tpu.wait_indirect_dma semaphore(%arg8 : memref<!tpu.dma_semaphore, #tpu.memory_space<semaphore_mem>>) src(%dma_wait3A_178 : memref<393216x128xf32, #tpu.memory_space<hbm>>) dst(%dma_wait3A_172 : memref<128x128xf32, #tpu.memory_space<vmem>>)
      %mul3A_179 = arith.constant 2 : i32
      %mul3A_180 = arith.muli %mul3A_179, %add3A_163 : i32
      %add3A_181 = arith.constant 1 : i32
      %add3A_182 = arith.addi %mul3A_180, %add3A_181 : i32
      %dma_wait3A_183 = arith.constant 1 : i32
      %dma_wait3A_184 = arith.constant 128 : i32
      %dma_wait3A_185 = arith.constant 0 : i32
      %dma_wait3A_186 = tpu.memref_slice %arg6[%dma_wait3A_183, %dma_wait3A_184, %dma_wait3A_185] : memref<3x256x128xf32, #tpu.memory_space<vmem>> -> memref<1x128x128xf32, #tpu.memory_space<vmem>>
      %dma_wait3A_187 = tpu.memref_squeeze %dma_wait3A_186 : memref<1x128x128xf32, #tpu.memory_space<vmem>> -> memref<128x128xf32, #tpu.memory_space<vmem>>
      %dma_wait3A_188 = arith.constant 0 : i32
      %dma_wait3A_189 = tpu.memref_slice %arg5[%add3A_182, %dma_wait3A_188] : memref<48x128xi32, #tpu.memory_space<vmem>> -> memref<1x128xi32, #tpu.memory_space<vmem>>
      %dma_wait3A_190 = tpu.memref_squeeze %dma_wait3A_189 : memref<1x128xi32, #tpu.memory_space<vmem>> -> memref<128xi32, #tpu.memory_space<vmem>>
      %dma_wait3A_191 = arith.constant 0 : i32
      %dma_wait3A_192 = arith.constant 0 : i32
      %dma_wait3A_193 = tpu.memref_slice %arg2[%dma_wait3A_191, %dma_wait3A_192] : memref<393216x128xf32, #tpu.memory_space<hbm>> -> memref<393216x128xf32, #tpu.memory_space<hbm>>
      tpu.wait_indirect_dma semaphore(%arg8 : memref<!tpu.dma_semaphore, #tpu.memory_space<semaphore_mem>>) src(%dma_wait3A_193 : memref<393216x128xf32, #tpu.memory_space<hbm>>) dst(%dma_wait3A_187 : memref<128x128xf32, #tpu.memory_space<vmem>>)
      %mul3A_194 = arith.constant 256 : i32
      %mul3A_195 = arith.muli %add3A_163, %mul3A_194 : i32
      %add3A_196 = arith.addi %mul3A_2, %mul3A_195 : i32
      %dma_start3A_197 = arith.constant 1 : i32
      %dma_start3A_198 = arith.constant 0 : i32
      %dma_start3A_199 = arith.constant 0 : i32
      %dma_start3A_200 = tpu.memref_slice %arg6[%dma_start3A_197, %dma_start3A_198, %dma_start3A_199] : memref<3x256x128xf32, #tpu.memory_space<vmem>> -> memref<1x256x128xf32, #tpu.memory_space<vmem>>
      %dma_start3A_201 = tpu.memref_squeeze %dma_start3A_200 : memref<1x256x128xf32, #tpu.memory_space<vmem>> -> memref<256x128xf32, #tpu.memory_space<vmem>>
      %dma_start3A_202 = arith.constant 0 : i32
      %dma_start3A_203 = tpu.memref_slice %arg4[%add3A_196, %dma_start3A_202] : memref<196608x128xf32, #tpu.memory_space<hbm>> -> memref<256x128xf32, #tpu.memory_space<hbm>>
      %dma_start3A_204 = arith.constant 0 : i32
      %dma_start3A_205 = tpu.memref_slice %arg4[%add3A_196, %dma_start3A_204] : memref<196608x128xf32, #tpu.memory_space<hbm>> -> memref<256x128xf32, #tpu.memory_space<hbm>>
      %dma_start3A_206 = arith.constant 0 : i32
      %dma_start3A_207 = arith.constant 0 : i32
      %dma_start3A_208 = tpu.memref_slice %arg6[%dma_start3A_197, %dma_start3A_206, %dma_start3A_207] : memref<3x256x128xf32, #tpu.memory_space<vmem>> -> memref<1x256x128xf32, #tpu.memory_space<vmem>>
      %dma_start3A_209 = tpu.memref_squeeze %dma_start3A_208 : memref<1x256x128xf32, #tpu.memory_space<vmem>> -> memref<256x128xf32, #tpu.memory_space<vmem>>
      tpu.enqueue_dma source(%dma_start3A_209 : memref<256x128xf32, #tpu.memory_space<vmem>>) target(%dma_start3A_205 : memref<256x128xf32, #tpu.memory_space<hbm>>) target_semaphore(%arg11 : memref<!tpu.dma_semaphore, #tpu.memory_space<semaphore_mem>>)
      %ge3A_210 = arith.constant 1 : i32
      %ge3A_211 = arith.cmpi sge, %add3A_163, %ge3A_210 : i32
      %add3A_212 = arith.constant 2 : i32
      %add3A_213 = arith.addi %add3A_163, %add3A_212 : i32
      %lt3A_214 = arith.constant 24 : i32
      %lt3A_215 = arith.cmpi slt, %add3A_213, %lt3A_214 : i32
      %and3A_216 = arith.andi %ge3A_211, %lt3A_215 : i1
      %convert_element_type3A_217 = arith.extui %and3A_216 : i1 to i32
      %cond3A_218 = arith.constant 0 : i32
      %cond3A_219 = arith.cmpi ne, %convert_element_type3A_217, %cond3A_218 : i32
      scf.if %cond3A_219 {
        %sub3A = arith.constant 1 : i32
        %sub3A_292 = arith.subi %add3A_163, %sub3A : i32
        %mul3A_293 = arith.constant 256 : i32
        %mul3A_294 = arith.muli %sub3A_292, %mul3A_293 : i32
        %add3A_295 = arith.addi %mul3A_2, %mul3A_294 : i32
        %dma_wait3A_296 = arith.constant 0 : i32
        %dma_wait3A_297 = arith.constant 0 : i32
        %dma_wait3A_298 = arith.constant 0 : i32
        %dma_wait3A_299 = tpu.memref_slice %arg6[%dma_wait3A_296, %dma_wait3A_297, %dma_wait3A_298] : memref<3x256x128xf32, #tpu.memory_space<vmem>> -> memref<1x256x128xf32, #tpu.memory_space<vmem>>
        %dma_wait3A_300 = tpu.memref_squeeze %dma_wait3A_299 : memref<1x256x128xf32, #tpu.memory_space<vmem>> -> memref<256x128xf32, #tpu.memory_space<vmem>>
        %dma_wait3A_301 = arith.constant 0 : i32
        %dma_wait3A_302 = tpu.memref_slice %arg4[%add3A_295, %dma_wait3A_301] : memref<196608x128xf32, #tpu.memory_space<hbm>> -> memref<256x128xf32, #tpu.memory_space<hbm>>
        %dma_wait3A_303 = arith.constant 0 : i32
        %dma_wait3A_304 = tpu.memref_slice %arg4[%add3A_295, %dma_wait3A_303] : memref<196608x128xf32, #tpu.memory_space<hbm>> -> memref<256x128xf32, #tpu.memory_space<hbm>>
        %dma_wait3A_305 = arith.constant 0 : i32
        %dma_wait3A_306 = arith.constant 0 : i32
        %dma_wait3A_307 = tpu.memref_slice %arg6[%dma_wait3A_296, %dma_wait3A_305, %dma_wait3A_306] : memref<3x256x128xf32, #tpu.memory_space<vmem>> -> memref<1x256x128xf32, #tpu.memory_space<vmem>>
        %dma_wait3A_308 = tpu.memref_squeeze %dma_wait3A_307 : memref<1x256x128xf32, #tpu.memory_space<vmem>> -> memref<256x128xf32, #tpu.memory_space<vmem>>
        tpu.wait_dma2 semaphore(%arg10 : memref<!tpu.dma_semaphore, #tpu.memory_space<semaphore_mem>>) src(%dma_wait3A_308 : memref<256x128xf32, #tpu.memory_space<vmem>>) dst(%dma_wait3A_304 : memref<256x128xf32, #tpu.memory_space<hbm>>)
      } else {
      }
      %add3A_220 = arith.constant 2 : i32
      %add3A_221 = arith.addi %add3A_163, %add3A_220 : i32
      %lt3A_222 = arith.constant 24 : i32
      %lt3A_223 = arith.cmpi slt, %add3A_221, %lt3A_222 : i32
      %convert_element_type3A_224 = arith.extui %lt3A_223 : i1 to i32
      %cond3A_225 = arith.constant 0 : i32
      %cond3A_226 = arith.cmpi ne, %convert_element_type3A_224, %cond3A_225 : i32
      scf.if %cond3A_226 {
        %add3A_292 = arith.constant 2 : i32
        %add3A_293 = arith.addi %add3A_163, %add3A_292 : i32
        %mul3A_294 = arith.constant 2 : i32
        %mul3A_295 = arith.muli %mul3A_294, %add3A_293 : i32
        %add3A_296 = arith.constant 0 : i32
        %add3A_297 = arith.addi %mul3A_295, %add3A_296 : i32
        %dma_start3A_298 = arith.constant 0 : i32
        %dma_start3A_299 = arith.constant 0 : i32
        %dma_start3A_300 = arith.constant 0 : i32
        %dma_start3A_301 = tpu.memref_slice %arg6[%dma_start3A_298, %dma_start3A_299, %dma_start3A_300] : memref<3x256x128xf32, #tpu.memory_space<vmem>> -> memref<1x128x128xf32, #tpu.memory_space<vmem>>
        %dma_start3A_302 = tpu.memref_squeeze %dma_start3A_301 : memref<1x128x128xf32, #tpu.memory_space<vmem>> -> memref<128x128xf32, #tpu.memory_space<vmem>>
        %dma_start3A_303 = arith.constant 0 : i32
        %dma_start3A_304 = tpu.memref_slice %arg5[%add3A_297, %dma_start3A_303] : memref<48x128xi32, #tpu.memory_space<vmem>> -> memref<1x128xi32, #tpu.memory_space<vmem>>
        %dma_start3A_305 = tpu.memref_squeeze %dma_start3A_304 : memref<1x128xi32, #tpu.memory_space<vmem>> -> memref<128xi32, #tpu.memory_space<vmem>>
        %dma_start3A_306 = arith.constant 0 : i32
        %dma_start3A_307 = arith.constant 0 : i32
        %dma_start3A_308 = tpu.memref_slice %arg2[%dma_start3A_306, %dma_start3A_307] : memref<393216x128xf32, #tpu.memory_space<hbm>> -> memref<393216x128xf32, #tpu.memory_space<hbm>>
        tpu.enqueue_indirect_dma source(%dma_start3A_308 : memref<393216x128xf32, #tpu.memory_space<hbm>>) target(%dma_start3A_302 : memref<128x128xf32, #tpu.memory_space<vmem>>) offsets(%dma_start3A_305 : memref<128xi32, #tpu.memory_space<vmem>>) semaphore(%arg7 : memref<!tpu.dma_semaphore, #tpu.memory_space<semaphore_mem>>)
        %mul3A_309 = arith.constant 2 : i32
        %mul3A_310 = arith.muli %mul3A_309, %add3A_293 : i32
        %add3A_311 = arith.constant 1 : i32
        %add3A_312 = arith.addi %mul3A_310, %add3A_311 : i32
        %dma_start3A_313 = arith.constant 0 : i32
        %dma_start3A_314 = arith.constant 128 : i32
        %dma_start3A_315 = arith.constant 0 : i32
        %dma_start3A_316 = tpu.memref_slice %arg6[%dma_start3A_313, %dma_start3A_314, %dma_start3A_315] : memref<3x256x128xf32, #tpu.memory_space<vmem>> -> memref<1x128x128xf32, #tpu.memory_space<vmem>>
        %dma_start3A_317 = tpu.memref_squeeze %dma_start3A_316 : memref<1x128x128xf32, #tpu.memory_space<vmem>> -> memref<128x128xf32, #tpu.memory_space<vmem>>
        %dma_start3A_318 = arith.constant 0 : i32
        %dma_start3A_319 = tpu.memref_slice %arg5[%add3A_312, %dma_start3A_318] : memref<48x128xi32, #tpu.memory_space<vmem>> -> memref<1x128xi32, #tpu.memory_space<vmem>>
        %dma_start3A_320 = tpu.memref_squeeze %dma_start3A_319 : memref<1x128xi32, #tpu.memory_space<vmem>> -> memref<128xi32, #tpu.memory_space<vmem>>
        %dma_start3A_321 = arith.constant 0 : i32
        %dma_start3A_322 = arith.constant 0 : i32
        %dma_start3A_323 = tpu.memref_slice %arg2[%dma_start3A_321, %dma_start3A_322] : memref<393216x128xf32, #tpu.memory_space<hbm>> -> memref<393216x128xf32, #tpu.memory_space<hbm>>
        tpu.enqueue_indirect_dma source(%dma_start3A_323 : memref<393216x128xf32, #tpu.memory_space<hbm>>) target(%dma_start3A_317 : memref<128x128xf32, #tpu.memory_space<vmem>>) offsets(%dma_start3A_320 : memref<128xi32, #tpu.memory_space<vmem>>) semaphore(%arg7 : memref<!tpu.dma_semaphore, #tpu.memory_space<semaphore_mem>>)
      } else {
      }
      %add3A_227 = arith.constant 2 : i32
      %add3A_228 = arith.addi %mul3A_101, %add3A_227 : i32
      %mul3A_229 = arith.constant 2 : i32
      %mul3A_230 = arith.muli %mul3A_229, %add3A_228 : i32
      %add3A_231 = arith.constant 0 : i32
      %add3A_232 = arith.addi %mul3A_230, %add3A_231 : i32
      %dma_wait3A_233 = arith.constant 2 : i32
      %dma_wait3A_234 = arith.constant 0 : i32
      %dma_wait3A_235 = arith.constant 0 : i32
      %dma_wait3A_236 = tpu.memref_slice %arg6[%dma_wait3A_233, %dma_wait3A_234, %dma_wait3A_235] : memref<3x256x128xf32, #tpu.memory_space<vmem>> -> memref<1x128x128xf32, #tpu.memory_space<vmem>>
      %dma_wait3A_237 = tpu.memref_squeeze %dma_wait3A_236 : memref<1x128x128xf32, #tpu.memory_space<vmem>> -> memref<128x128xf32, #tpu.memory_space<vmem>>
      %dma_wait3A_238 = arith.constant 0 : i32
      %dma_wait3A_239 = tpu.memref_slice %arg5[%add3A_232, %dma_wait3A_238] : memref<48x128xi32, #tpu.memory_space<vmem>> -> memref<1x128xi32, #tpu.memory_space<vmem>>
      %dma_wait3A_240 = tpu.memref_squeeze %dma_wait3A_239 : memref<1x128xi32, #tpu.memory_space<vmem>> -> memref<128xi32, #tpu.memory_space<vmem>>
      %dma_wait3A_241 = arith.constant 0 : i32
      %dma_wait3A_242 = arith.constant 0 : i32
      %dma_wait3A_243 = tpu.memref_slice %arg2[%dma_wait3A_241, %dma_wait3A_242] : memref<393216x128xf32, #tpu.memory_space<hbm>> -> memref<393216x128xf32, #tpu.memory_space<hbm>>
      tpu.wait_indirect_dma semaphore(%arg9 : memref<!tpu.dma_semaphore, #tpu.memory_space<semaphore_mem>>) src(%dma_wait3A_243 : memref<393216x128xf32, #tpu.memory_space<hbm>>) dst(%dma_wait3A_237 : memref<128x128xf32, #tpu.memory_space<vmem>>)
      %mul3A_244 = arith.constant 2 : i32
      %mul3A_245 = arith.muli %mul3A_244, %add3A_228 : i32
      %add3A_246 = arith.constant 1 : i32
      %add3A_247 = arith.addi %mul3A_245, %add3A_246 : i32
      %dma_wait3A_248 = arith.constant 2 : i32
      %dma_wait3A_249 = arith.constant 128 : i32
      %dma_wait3A_250 = arith.constant 0 : i32
      %dma_wait3A_251 = tpu.memref_slice %arg6[%dma_wait3A_248, %dma_wait3A_249, %dma_wait3A_250] : memref<3x256x128xf32, #tpu.memory_space<vmem>> -> memref<1x128x128xf32, #tpu.memory_space<vmem>>
      %dma_wait3A_252 = tpu.memref_squeeze %dma_wait3A_251 : memref<1x128x128xf32, #tpu.memory_space<vmem>> -> memref<128x128xf32, #tpu.memory_space<vmem>>
      %dma_wait3A_253 = arith.constant 0 : i32
      %dma_wait3A_254 = tpu.memref_slice %arg5[%add3A_247, %dma_wait3A_253] : memref<48x128xi32, #tpu.memory_space<vmem>> -> memref<1x128xi32, #tpu.memory_space<vmem>>
      %dma_wait3A_255 = tpu.memref_squeeze %dma_wait3A_254 : memref<1x128xi32, #tpu.memory_space<vmem>> -> memref<128xi32, #tpu.memory_space<vmem>>
      %dma_wait3A_256 = arith.constant 0 : i32
      %dma_wait3A_257 = arith.constant 0 : i32
      %dma_wait3A_258 = tpu.memref_slice %arg2[%dma_wait3A_256, %dma_wait3A_257] : memref<393216x128xf32, #tpu.memory_space<hbm>> -> memref<393216x128xf32, #tpu.memory_space<hbm>>
      tpu.wait_indirect_dma semaphore(%arg9 : memref<!tpu.dma_semaphore, #tpu.memory_space<semaphore_mem>>) src(%dma_wait3A_258 : memref<393216x128xf32, #tpu.memory_space<hbm>>) dst(%dma_wait3A_252 : memref<128x128xf32, #tpu.memory_space<vmem>>)
      %mul3A_259 = arith.constant 256 : i32
      %mul3A_260 = arith.muli %add3A_228, %mul3A_259 : i32
      %add3A_261 = arith.addi %mul3A_2, %mul3A_260 : i32
      %dma_start3A_262 = arith.constant 2 : i32
      %dma_start3A_263 = arith.constant 0 : i32
      %dma_start3A_264 = arith.constant 0 : i32
      %dma_start3A_265 = tpu.memref_slice %arg6[%dma_start3A_262, %dma_start3A_263, %dma_start3A_264] : memref<3x256x128xf32, #tpu.memory_space<vmem>> -> memref<1x256x128xf32, #tpu.memory_space<vmem>>
      %dma_start3A_266 = tpu.memref_squeeze %dma_start3A_265 : memref<1x256x128xf32, #tpu.memory_space<vmem>> -> memref<256x128xf32, #tpu.memory_space<vmem>>
      %dma_start3A_267 = arith.constant 0 : i32
      %dma_start3A_268 = tpu.memref_slice %arg4[%add3A_261, %dma_start3A_267] : memref<196608x128xf32, #tpu.memory_space<hbm>> -> memref<256x128xf32, #tpu.memory_space<hbm>>
      %dma_start3A_269 = arith.constant 0 : i32
      %dma_start3A_270 = tpu.memref_slice %arg4[%add3A_261, %dma_start3A_269] : memref<196608x128xf32, #tpu.memory_space<hbm>> -> memref<256x128xf32, #tpu.memory_space<hbm>>
      %dma_start3A_271 = arith.constant 0 : i32
      %dma_start3A_272 = arith.constant 0 : i32
      %dma_start3A_273 = tpu.memref_slice %arg6[%dma_start3A_262, %dma_start3A_271, %dma_start3A_272] : memref<3x256x128xf32, #tpu.memory_space<vmem>> -> memref<1x256x128xf32, #tpu.memory_space<vmem>>
      %dma_start3A_274 = tpu.memref_squeeze %dma_start3A_273 : memref<1x256x128xf32, #tpu.memory_space<vmem>> -> memref<256x128xf32, #tpu.memory_space<vmem>>
      tpu.enqueue_dma source(%dma_start3A_274 : memref<256x128xf32, #tpu.memory_space<vmem>>) target(%dma_start3A_270 : memref<256x128xf32, #tpu.memory_space<hbm>>) target_semaphore(%arg12 : memref<!tpu.dma_semaphore, #tpu.memory_space<semaphore_mem>>)
      %ge3A_275 = arith.constant 1 : i32
      %ge3A_276 = arith.cmpi sge, %add3A_228, %ge3A_275 : i32
      %add3A_277 = arith.constant 2 : i32
      %add3A_278 = arith.addi %add3A_228, %add3A_277 : i32
      %lt3A_279 = arith.constant 24 : i32
      %lt3A_280 = arith.cmpi slt, %add3A_278, %lt3A_279 : i32
      %and3A_281 = arith.andi %ge3A_276, %lt3A_280 : i1
      %convert_element_type3A_282 = arith.extui %and3A_281 : i1 to i32
      %cond3A_283 = arith.constant 0 : i32
      %cond3A_284 = arith.cmpi ne, %convert_element_type3A_282, %cond3A_283 : i32
      scf.if %cond3A_284 {
        %sub3A = arith.constant 1 : i32
        %sub3A_292 = arith.subi %add3A_228, %sub3A : i32
        %mul3A_293 = arith.constant 256 : i32
        %mul3A_294 = arith.muli %sub3A_292, %mul3A_293 : i32
        %add3A_295 = arith.addi %mul3A_2, %mul3A_294 : i32
        %dma_wait3A_296 = arith.constant 1 : i32
        %dma_wait3A_297 = arith.constant 0 : i32
        %dma_wait3A_298 = arith.constant 0 : i32
        %dma_wait3A_299 = tpu.memref_slice %arg6[%dma_wait3A_296, %dma_wait3A_297, %dma_wait3A_298] : memref<3x256x128xf32, #tpu.memory_space<vmem>> -> memref<1x256x128xf32, #tpu.memory_space<vmem>>
        %dma_wait3A_300 = tpu.memref_squeeze %dma_wait3A_299 : memref<1x256x128xf32, #tpu.memory_space<vmem>> -> memref<256x128xf32, #tpu.memory_space<vmem>>
        %dma_wait3A_301 = arith.constant 0 : i32
        %dma_wait3A_302 = tpu.memref_slice %arg4[%add3A_295, %dma_wait3A_301] : memref<196608x128xf32, #tpu.memory_space<hbm>> -> memref<256x128xf32, #tpu.memory_space<hbm>>
        %dma_wait3A_303 = arith.constant 0 : i32
        %dma_wait3A_304 = tpu.memref_slice %arg4[%add3A_295, %dma_wait3A_303] : memref<196608x128xf32, #tpu.memory_space<hbm>> -> memref<256x128xf32, #tpu.memory_space<hbm>>
        %dma_wait3A_305 = arith.constant 0 : i32
        %dma_wait3A_306 = arith.constant 0 : i32
        %dma_wait3A_307 = tpu.memref_slice %arg6[%dma_wait3A_296, %dma_wait3A_305, %dma_wait3A_306] : memref<3x256x128xf32, #tpu.memory_space<vmem>> -> memref<1x256x128xf32, #tpu.memory_space<vmem>>
        %dma_wait3A_308 = tpu.memref_squeeze %dma_wait3A_307 : memref<1x256x128xf32, #tpu.memory_space<vmem>> -> memref<256x128xf32, #tpu.memory_space<vmem>>
        tpu.wait_dma2 semaphore(%arg11 : memref<!tpu.dma_semaphore, #tpu.memory_space<semaphore_mem>>) src(%dma_wait3A_308 : memref<256x128xf32, #tpu.memory_space<vmem>>) dst(%dma_wait3A_304 : memref<256x128xf32, #tpu.memory_space<hbm>>)
      } else {
      }
      %add3A_285 = arith.constant 2 : i32
      %add3A_286 = arith.addi %add3A_228, %add3A_285 : i32
      %lt3A_287 = arith.constant 24 : i32
      %lt3A_288 = arith.cmpi slt, %add3A_286, %lt3A_287 : i32
      %convert_element_type3A_289 = arith.extui %lt3A_288 : i1 to i32
      %cond3A_290 = arith.constant 0 : i32
      %cond3A_291 = arith.cmpi ne, %convert_element_type3A_289, %cond3A_290 : i32
      scf.if %cond3A_291 {
        %add3A_292 = arith.constant 2 : i32
        %add3A_293 = arith.addi %add3A_228, %add3A_292 : i32
        %mul3A_294 = arith.constant 2 : i32
        %mul3A_295 = arith.muli %mul3A_294, %add3A_293 : i32
        %add3A_296 = arith.constant 0 : i32
        %add3A_297 = arith.addi %mul3A_295, %add3A_296 : i32
        %dma_start3A_298 = arith.constant 1 : i32
        %dma_start3A_299 = arith.constant 0 : i32
        %dma_start3A_300 = arith.constant 0 : i32
        %dma_start3A_301 = tpu.memref_slice %arg6[%dma_start3A_298, %dma_start3A_299, %dma_start3A_300] : memref<3x256x128xf32, #tpu.memory_space<vmem>> -> memref<1x128x128xf32, #tpu.memory_space<vmem>>
        %dma_start3A_302 = tpu.memref_squeeze %dma_start3A_301 : memref<1x128x128xf32, #tpu.memory_space<vmem>> -> memref<128x128xf32, #tpu.memory_space<vmem>>
        %dma_start3A_303 = arith.constant 0 : i32
        %dma_start3A_304 = tpu.memref_slice %arg5[%add3A_297, %dma_start3A_303] : memref<48x128xi32, #tpu.memory_space<vmem>> -> memref<1x128xi32, #tpu.memory_space<vmem>>
        %dma_start3A_305 = tpu.memref_squeeze %dma_start3A_304 : memref<1x128xi32, #tpu.memory_space<vmem>> -> memref<128xi32, #tpu.memory_space<vmem>>
        %dma_start3A_306 = arith.constant 0 : i32
        %dma_start3A_307 = arith.constant 0 : i32
        %dma_start3A_308 = tpu.memref_slice %arg2[%dma_start3A_306, %dma_start3A_307] : memref<393216x128xf32, #tpu.memory_space<hbm>> -> memref<393216x128xf32, #tpu.memory_space<hbm>>
        tpu.enqueue_indirect_dma source(%dma_start3A_308 : memref<393216x128xf32, #tpu.memory_space<hbm>>) target(%dma_start3A_302 : memref<128x128xf32, #tpu.memory_space<vmem>>) offsets(%dma_start3A_305 : memref<128xi32, #tpu.memory_space<vmem>>) semaphore(%arg8 : memref<!tpu.dma_semaphore, #tpu.memory_space<semaphore_mem>>)
        %mul3A_309 = arith.constant 2 : i32
        %mul3A_310 = arith.muli %mul3A_309, %add3A_293 : i32
        %add3A_311 = arith.constant 1 : i32
        %add3A_312 = arith.addi %mul3A_310, %add3A_311 : i32
        %dma_start3A_313 = arith.constant 1 : i32
        %dma_start3A_314 = arith.constant 128 : i32
        %dma_start3A_315 = arith.constant 0 : i32
        %dma_start3A_316 = tpu.memref_slice %arg6[%dma_start3A_313, %dma_start3A_314, %dma_start3A_315] : memref<3x256x128xf32, #tpu.memory_space<vmem>> -> memref<1x128x128xf32, #tpu.memory_space<vmem>>
        %dma_start3A_317 = tpu.memref_squeeze %dma_start3A_316 : memref<1x128x128xf32, #tpu.memory_space<vmem>> -> memref<128x128xf32, #tpu.memory_space<vmem>>
        %dma_start3A_318 = arith.constant 0 : i32
        %dma_start3A_319 = tpu.memref_slice %arg5[%add3A_312, %dma_start3A_318] : memref<48x128xi32, #tpu.memory_space<vmem>> -> memref<1x128xi32, #tpu.memory_space<vmem>>
        %dma_start3A_320 = tpu.memref_squeeze %dma_start3A_319 : memref<1x128xi32, #tpu.memory_space<vmem>> -> memref<128xi32, #tpu.memory_space<vmem>>
        %dma_start3A_321 = arith.constant 0 : i32
        %dma_start3A_322 = arith.constant 0 : i32
        %dma_start3A_323 = tpu.memref_slice %arg2[%dma_start3A_321, %dma_start3A_322] : memref<393216x128xf32, #tpu.memory_space<hbm>> -> memref<393216x128xf32, #tpu.memory_space<hbm>>
        tpu.enqueue_indirect_dma source(%dma_start3A_323 : memref<393216x128xf32, #tpu.memory_space<hbm>>) target(%dma_start3A_317 : memref<128x128xf32, #tpu.memory_space<vmem>>) offsets(%dma_start3A_320 : memref<128xi32, #tpu.memory_space<vmem>>) semaphore(%arg8 : memref<!tpu.dma_semaphore, #tpu.memory_space<semaphore_mem>>)
      } else {
      }
    }
    %scan3A_54 = arith.constant 8 : i32
    %add3A_55 = arith.constant 5376 : i32
    %add3A_56 = arith.addi %mul3A_2, %add3A_55 : i32
    %dma_wait3A = arith.constant 0 : i32
    %dma_wait3A_57 = arith.constant 0 : i32
    %dma_wait3A_58 = arith.constant 0 : i32
    %dma_wait3A_59 = tpu.memref_slice %arg6[%dma_wait3A, %dma_wait3A_57, %dma_wait3A_58] : memref<3x256x128xf32, #tpu.memory_space<vmem>> -> memref<1x256x128xf32, #tpu.memory_space<vmem>>
    %dma_wait3A_60 = tpu.memref_squeeze %dma_wait3A_59 : memref<1x256x128xf32, #tpu.memory_space<vmem>> -> memref<256x128xf32, #tpu.memory_space<vmem>>
    %dma_wait3A_61 = arith.constant 0 : i32
    %dma_wait3A_62 = tpu.memref_slice %arg4[%add3A_56, %dma_wait3A_61] : memref<196608x128xf32, #tpu.memory_space<hbm>> -> memref<256x128xf32, #tpu.memory_space<hbm>>
    %dma_wait3A_63 = arith.constant 0 : i32
    %dma_wait3A_64 = tpu.memref_slice %arg4[%add3A_56, %dma_wait3A_63] : memref<196608x128xf32, #tpu.memory_space<hbm>> -> memref<256x128xf32, #tpu.memory_space<hbm>>
    %dma_wait3A_65 = arith.constant 0 : i32
    %dma_wait3A_66 = arith.constant 0 : i32
    %dma_wait3A_67 = tpu.memref_slice %arg6[%dma_wait3A, %dma_wait3A_65, %dma_wait3A_66] : memref<3x256x128xf32, #tpu.memory_space<vmem>> -> memref<1x256x128xf32, #tpu.memory_space<vmem>>
    %dma_wait3A_68 = tpu.memref_squeeze %dma_wait3A_67 : memref<1x256x128xf32, #tpu.memory_space<vmem>> -> memref<256x128xf32, #tpu.memory_space<vmem>>
    tpu.wait_dma2 semaphore(%arg10 : memref<!tpu.dma_semaphore, #tpu.memory_space<semaphore_mem>>) src(%dma_wait3A_68 : memref<256x128xf32, #tpu.memory_space<vmem>>) dst(%dma_wait3A_64 : memref<256x128xf32, #tpu.memory_space<hbm>>)
    %add3A_69 = arith.constant 5632 : i32
    %add3A_70 = arith.addi %mul3A_2, %add3A_69 : i32
    %dma_wait3A_71 = arith.constant 1 : i32
    %dma_wait3A_72 = arith.constant 0 : i32
    %dma_wait3A_73 = arith.constant 0 : i32
    %dma_wait3A_74 = tpu.memref_slice %arg6[%dma_wait3A_71, %dma_wait3A_72, %dma_wait3A_73] : memref<3x256x128xf32, #tpu.memory_space<vmem>> -> memref<1x256x128xf32, #tpu.memory_space<vmem>>
    %dma_wait3A_75 = tpu.memref_squeeze %dma_wait3A_74 : memref<1x256x128xf32, #tpu.memory_space<vmem>> -> memref<256x128xf32, #tpu.memory_space<vmem>>
    %dma_wait3A_76 = arith.constant 0 : i32
    %dma_wait3A_77 = tpu.memref_slice %arg4[%add3A_70, %dma_wait3A_76] : memref<196608x128xf32, #tpu.memory_space<hbm>> -> memref<256x128xf32, #tpu.memory_space<hbm>>
    %dma_wait3A_78 = arith.constant 0 : i32
    %dma_wait3A_79 = tpu.memref_slice %arg4[%add3A_70, %dma_wait3A_78] : memref<196608x128xf32, #tpu.memory_space<hbm>> -> memref<256x128xf32, #tpu.memory_space<hbm>>
    %dma_wait3A_80 = arith.constant 0 : i32
    %dma_wait3A_81 = arith.constant 0 : i32
    %dma_wait3A_82 = tpu.memref_slice %arg6[%dma_wait3A_71, %dma_wait3A_80, %dma_wait3A_81] : memref<3x256x128xf32, #tpu.memory_space<vmem>> -> memref<1x256x128xf32, #tpu.memory_space<vmem>>
    %dma_wait3A_83 = tpu.memref_squeeze %dma_wait3A_82 : memref<1x256x128xf32, #tpu.memory_space<vmem>> -> memref<256x128xf32, #tpu.memory_space<vmem>>
    tpu.wait_dma2 semaphore(%arg11 : memref<!tpu.dma_semaphore, #tpu.memory_space<semaphore_mem>>) src(%dma_wait3A_83 : memref<256x128xf32, #tpu.memory_space<vmem>>) dst(%dma_wait3A_79 : memref<256x128xf32, #tpu.memory_space<hbm>>)
    %add3A_84 = arith.constant 5888 : i32
    %add3A_85 = arith.addi %mul3A_2, %add3A_84 : i32
    %dma_wait3A_86 = arith.constant 2 : i32
    %dma_wait3A_87 = arith.constant 0 : i32
    %dma_wait3A_88 = arith.constant 0 : i32
    %dma_wait3A_89 = tpu.memref_slice %arg6[%dma_wait3A_86, %dma_wait3A_87, %dma_wait3A_88] : memref<3x256x128xf32, #tpu.memory_space<vmem>> -> memref<1x256x128xf32, #tpu.memory_space<vmem>>
    %dma_wait3A_90 = tpu.memref_squeeze %dma_wait3A_89 : memref<1x256x128xf32, #tpu.memory_space<vmem>> -> memref<256x128xf32, #tpu.memory_space<vmem>>
    %dma_wait3A_91 = arith.constant 0 : i32
    %dma_wait3A_92 = tpu.memref_slice %arg4[%add3A_85, %dma_wait3A_91] : memref<196608x128xf32, #tpu.memory_space<hbm>> -> memref<256x128xf32, #tpu.memory_space<hbm>>
    %dma_wait3A_93 = arith.constant 0 : i32
    %dma_wait3A_94 = tpu.memref_slice %arg4[%add3A_85, %dma_wait3A_93] : memref<196608x128xf32, #tpu.memory_space<hbm>> -> memref<256x128xf32, #tpu.memory_space<hbm>>
    %dma_wait3A_95 = arith.constant 0 : i32
    %dma_wait3A_96 = arith.constant 0 : i32
    %dma_wait3A_97 = tpu.memref_slice %arg6[%dma_wait3A_86, %dma_wait3A_95, %dma_wait3A_96] : memref<3x256x128xf32, #tpu.memory_space<vmem>> -> memref<1x256x128xf32, #tpu.memory_space<vmem>>
    %dma_wait3A_98 = tpu.memref_squeeze %dma_wait3A_97 : memref<1x256x128xf32, #tpu.memory_space<vmem>> -> memref<256x128xf32, #tpu.memory_space<vmem>>
    tpu.wait_dma2 semaphore(%arg12 : memref<!tpu.dma_semaphore, #tpu.memory_space<semaphore_mem>>) src(%dma_wait3A_98 : memref<256x128xf32, #tpu.memory_space<vmem>>) dst(%dma_wait3A_94 : memref<256x128xf32, #tpu.memory_space<hbm>>)
    return
  }
}

</mosaic_0001>

<sc_bundles>
// kernel: kernel.3.cloned.1.call-start
scs
__scs_entry_jumppad:
0x0: {  	(pc) =	sbr.rel $0x88, $3  }
0x1: {  	(tag) =	ssettag $0x0;
	lr =	simm.s32 $0x1  }
0x2: {  	[smem:$0x3FA0] =	sst lr;
	_ =	strace $0xD0000000  }
0x3: {  	_ = 	snop  }
0x4: {  	_ = 	snop  }
0x5: {  	_ = 	snop  }
0x6: {  	_ = 	snop  }
0x7: {  	_ = 	snop  }
__scs_overlays_trampoline_lowered:
0x8: {  	[smem:$0x3FAF] =	sst s0  }
0x9: {  	[smem:$0x3FB0] =	sst s1  }
0xa: {  	[smem:$0x3FB1] =	sst s2  }
0xb: {  	[smem:$0x3FB2] =	sst s3  }
0xc: {  	[smem:$0x3FB3] =	sst s4  }
0xd: {  	[smem:$0x3FB4] =	sst s5  }
0xe: {  	[smem:$0x3FB5] =	sst s6  }
0xf: {  	[smem:$0x3FB6] =	sst s7  }
0x10: {  	[smem:$0x3FB7] =	sst s8  }
0x11: {  	[smem:$0x3FB8] =	sst s9;
	s0 =	simm.s32 @!p0 $0x0  }
0x12: {  	s1 =	sld [smem:$0x3F9E];
	s0 =	simm.s32 @p0 $0x1  }
0x13: {  	[smem:$0x3FB9] =	sst s0;
	s0 =	simm.s32 @!p1 $0x0  }
0x14: {  	s2 =	sld [smem:$0x3F9D];
	s0 =	simm.s32 @p1 $0x1  }
0x15: {  	[smem:$0x3FBA] =	sst s0;
	s0 =	simm.s32 @!p2 $0x0  }
0x16: {  	s3 =	sld [smem:$0x3FDB];
	s0 =	simm.s32 @p2 $0x1  }
0x17: {  	s4 =	simm.s32 $0x1BF5;
	[smem:$0x3FBC] =	sst s0  }
0x18: {  	s0 =	sld [smem:$0x3F9F];
	_ =	swait.ge [sflag:s4], $0x0  }
0x19: {  	s7 =	sld [smem:$0x3FA0]  }
0x1a: {  	s8 =	sadd.s32 $0xFFFFE003, lr  }
0x1b: {  	s9 =	sadd.s32 $0xFFFFFEF7, lr;
	s5 =	simm.s32 $0xFFFFFFFF;
	p2 =	slt.u32 s8, $0xFFFFF086  }
0x1c: {  	p1 =	slt.u32 s9, $0xF7A;
	s5 =	simm.s32 @!p2 $0x0  }
0x1d: {  	s5 =	simm.s32 @p1 $0x1;
	p0 =	seq.s32 s7, s2  }
0x1e: {  	s7 =	smul.u32 @!p0 $0xF7A, s2;
	p2 =	seq.s32 @!p0 s5, $0x0  }
0x1f: {  	s9 =	smul.u32 $0xF7A, s1;
	s8 =	simm.s32 @!p0 $0x1BF5;
	p2 =	por !p2, p0  }
0x20: {  	[sflag:s8] =	ssyncset.s32 @!p0 $0xFFFFF086;
	s6 =	sadd.s32 @!p0 s3, s7;
	s7 =	simm.s32 @!p0 $0x108  }
0x21: {  	s3 =	sadd.s32 s3, s9;
	s6 =	sadd.s32 @!p0 $0x88, s6;
	s7 =	simm.s32 @p2 $0x1082  }
0x22: {  	[simem:s7], [sflag:s8] =	dma.local @!p0 [hbm:s6], $0xF7A  }
0x23: {  	s9 =	sor.u32 $0xD0000000, s2;
	s6 =	simm.s32 $0x108;
	_ =	swait.ge @!p0 [sflag:s8], $0x0  }
0x24: {  	s3 =	sadd.s32 $0x88, s3;
	s6 =	simm.s32 @!p1 $0x1082;
	[sflag:s4] =	ssyncset.s32 $0xFFFFF086  }
0x25: {  	[simem:s6], [sflag:s4] =	dma.local [hbm:s3], $0xF7A  }
0x26: {  	[smem:$0x3FA0] =	sst s1;
	(tag) =	ssettag s2;
	_ =	strace s9  }
0x27: {  	s1 =	sld [smem:$0x3FB0]  }
0x28: {  	s2 =	sld [smem:$0x3FB1]  }
0x29: {  	s4 =	sld [smem:$0x3FB3]  }
0x2a: {  	p0 =	seq.s32 s5, $0x0;
	s5 =	sld [smem:$0x3FB4]  }
0x2b: {  	s6 =	sld [smem:$0x3FB5]  }
0x2c: {  	s7 =	sld [smem:$0x3FB6]  }
0x2d: {  	s3 =	simm.s32 $0x108;
	s8 =	sld [smem:$0x3FB7]  }
0x2e: {  	s3 =	simm.s32 @!p0 $0x1082;
	s9 =	sld [smem:$0x3FB8]  }
0x2f: {  	lr =	sadd.s32 s0, s3;
	s0 =	sld [smem:$0x3FAF]  }
0x30: {  	s3 =	sld [smem:$0x3FB2]  }
0x31: {  	[smem:$0x3FBB] =	sst s10  }
0x32: {  	s10 =	sld [smem:$0x3FB9];
	_ =	sdelay $0x3  }
0x33: {  	p0 =	seq.s32 s10, $0x1;
	s10 =	sld [smem:$0x3FBB];
	_ =	sdelay $0x3  }
0x34: {  	[smem:$0x3FBB] =	sst s10  }
0x35: {  	s10 =	sld [smem:$0x3FBA];
	_ =	sdelay $0x3  }
0x36: {  	p1 =	seq.s32 s10, $0x1;
	s10 =	sld [smem:$0x3FBB];
	_ =	sdelay $0x3  }
0x37: {  	[smem:$0x3FBB] =	sst s10  }
0x38: {  	s10 =	sld [smem:$0x3FBC]  }
0x39: {  	_ = 	snop;
	(pc) =	sbr.ind lr, $3  }
0x3a: {  	_ = 	snop  }
0x3b: {  	_ = 	snop  }
0x3c: {  	p2 =	seq.s32 s10, $0x1;
	s10 =	sld [smem:$0x3FBB]  }
0x3d: {  	_ =	shalt  }
0x3e: {  	_ =	shalt  }
0x3f: {  	_ =	shalt  }
0x40: {  	_ =	shalt  }
0x41: {  	_ =	shalt  }
0x42: {  	_ =	shalt  }
0x43: {  	_ =	shalt  }
0x44: {  	_ =	shalt  }
0x45: {  	_ =	shalt  }
0x46: {  	_ =	shalt  }
0x47: {  	_ =	shalt  }
0x48: {  	_ =	shalt  }
0x49: {  	_ =	shalt  }
0x4a: {  	_ =	shalt  }
0x4b: {  	_ =	shalt  }
0x4c: {  	_ =	shalt  }
0x4d: {  	_ =	shalt  }
0x4e: {  	_ =	shalt  }
0x4f: {  	_ =	shalt  }
0x50: {  	_ =	shalt  }
0x51: {  	_ =	shalt  }
0x52: {  	_ =	shalt  }
0x53: {  	_ =	shalt  }
0x54: {  	_ =	shalt  }
0x55: {  	_ =	shalt  }
0x56: {  	_ =	shalt  }
0x57: {  	_ =	shalt  }
0x58: {  	_ =	shalt  }
0x59: {  	_ =	shalt  }
0x5a: {  	_ =	shalt  }
0x5b: {  	_ =	shalt  }
0x5c: {  	_ =	shalt  }
0x5d: {  	_ =	shalt  }
0x5e: {  	_ =	shalt  }
0x5f: {  	_ =	shalt  }
0x60: {  	_ =	shalt  }
0x61: {  	_ =	shalt  }
0x62: {  	_ =	shalt  }
0x63: {  	_ =	shalt  }
0x64: {  	_ =	shalt  }
0x65: {  	_ =	shalt  }
0x66: {  	_ =	shalt  }
0x67: {  	_ =	shalt  }
0x68: {  	_ =	shalt  }
0x69: {  	_ =	shalt  }
0x6a: {  	_ =	shalt  }
0x6b: {  	_ =	shalt  }
0x6c: {  	_ =	shalt  }
0x6d: {  	_ =	shalt  }
0x6e: {  	_ =	shalt  }
0x6f: {  	_ =	shalt  }
0x70: {  	_ =	shalt  }
0x71: {  	_ =	shalt  }
0x72: {  	_ =	shalt  }
0x73: {  	_ =	shalt  }
0x74: {  	_ =	shalt  }
0x75: {  	_ =	shalt  }
0x76: {  	_ =	shalt  }
0x77: {  	_ =	shalt  }
0x78: {  	_ =	shalt  }
0x79: {  	_ =	shalt  }
0x7a: {  	_ =	shalt  }
0x7b: {  	_ =	shalt  }
0x7c: {  	_ =	shalt  }
0x7d: {  	_ =	shalt  }
0x7e: {  	_ =	shalt  }
0x7f: {  	_ =	shalt  }
0x80: {  	_ =	shalt  }
0x81: {  	_ =	shalt  }
0x82: {  	_ =	shalt  }
0x83: {  	_ =	shalt  }
0x84: {  	_ =	shalt  }
0x85: {  	_ =	shalt  }
0x86: {  	_ =	shalt  }
0x87: {  	_ =	shalt  }
.Lfunc_end0:
.L_simem_size_0:
called_computation_lowered:
.L_overlay_start_0:
0x88: {  	s2 =	sld [smem:$0x3FD9]  }
0x89: {  	s3 =	sld [smem:$0x3FFE];
	_ =	sdelay $0x1  }
0x8a: {  	s1 =	srdreg.scid  }
0x8b: {  	s0 =	sand.u32 $0x1, s1  }
0x8c: {  	s15 =	sshll.u32 s0, $0xA;
	s2 =	sadd.s32 s3, s2  }
0x8d: {  	s2 =	sadd.s32 s2, s15  }
0x8e: {  	[smem:$0x3FC7] =	sst s2  }
0x8f: {  	_ = 	snop  }
0x90: {  	s2 =	sld [smem:$0x3FD0];
	_ =	sdelay $0x2  }
0x91: {  	s4 =	simm.s32 $0xA;
	s5 =	simm.s32 $0x10;
	s16 =	sld [smem:$0x3FC9]  }
0x92: {  	[smem:s5], [sflag:s4] =	dma.local [hbm:s2], $0x1  }
0x93: {  	_ =	swait.eq [sflag:s4], $0x1  }
0x94: {  	[sflag:s4] =	ssyncset.done $0x0  }
0x95: {  	s17 =	sld [smem:$0x10];
	[sflag:s4] =	ssyncadd.s32 $0xFFFFFFFF  }
0x96: {  	s18 =	sld [smem:$0x11];
	(tm) =	ssettm $0x1  }
0x97: {  	s19 =	sld [smem:$0x3FFB];
	_ =	sdelay $0x3  }
0x98: {  	_ =	strace s19  }
0x99: {  	s5 =	sld [smem:$0x3FFC];
	_ =	sdelay $0x3  }
0x9a: {  	_ =	strace s5  }
0x9b: {  	s5 =	sld [smem:$0x3FFD];
	_ =	sdelay $0x3  }
0x9c: {  	_ =	strace s5  }
0x9d: {  	_ =	strace $0x8FFFFFFF  }
0x9e: {  	s20 =	sld [smem:$0x3FDB];
	_ =	sdelay $0x1  }
0x9f: {  	s6 =	simm.s32 $_scs_section_size  }
0xa0: {  	s7 =	simm.s32 $_size__tile_overlayer_lowered;
	s8 =	simm.s32 $_tile_overlayer_lowered  }
0xa1: {  	s23 =	simm.s32 $0x1BFF;
	s22 =	sshll.u32 s8, $0x1;
	s5 =	sadd.s32 s6, s20  }
0xa2: {  	s9 =	simm.s32 $0x0;
	s21 =	sshll.u32 s7, $0x1;
	s7 =	sadd.s32 s22, s5  }
0xa3: {  	[timem:s9], [sflag:s23] =	dma.local [hbm:s7], s21  }
0xa4: {  	_ =	swait.ge [sflag:s23], s21  }
0xa5: {  	s6 =	ssub.s32 $0x0, s21;
	[sflag:s23] =	ssyncset.done $0x0  }
0xa6: {  	[sflag:s23] =	ssyncadd.s32 s6;
	_ =	sdelay $0x1  }
0xa7: {  	s24 =	simm.s32 $0x1B8B  }
0xa8: {  	_ =	swait.ge [sflag:s24], $0x1  }
0xa9: {  	[sflag:s24] =	ssyncset.done $0x0  }
0xaa: {  	s25 =	simm.s32 $0x1B8E;
	[sflag:s24] =	ssyncadd.s32 $0xFFFFFFFF  }
0xab: {  	s26 =	simm.s32 $execute0_lowered;
	[smem:$0x3FD2] =	sst s25  }
0xac: {  	s6 =	sshll.u32 s26, $0x1;
	_ =	strace $0x80000046;
	[dreg:$0x1] =	wrdreg $0xFFFFFFFF  }
0xad: {  	s28 =	simm.s32 $_size_execute0_lowered;
	s5 =	sadd.s32 s5, s6;
	[dreg:$0x0] =	wrdreg $0x0  }
0xae: {  	s6 =	sshll.u32 s28, $0x1;
	[dreg:$0x2] =	wrdreg s5  }
0xaf: {  	[dreg:$0x3] =	wrdreg s6  }
0xb0: {  	[dreg:$0x4] =	wrdreg $0xC0  }
0xb1: {  	_ =	task [dreg:s9], $0x5FFFF  }
0xb2: {  	[dreg:$0x1] =	wrdreg $0xFFFFFFFF  }
0xb3: {  	[dreg:$0x0] =	wrdreg $0x60  }
0xb4: {  	[dreg:$0x2] =	wrdreg s16  }
0xb5: {  	[dreg:$0x3] =	wrdreg s18  }
0xb6: {  	[dreg:$0x4] =	wrdreg s17  }
0xb7: {  	[dreg:$0x5] =	wrdreg $0x9  }
0xb8: {  	_ =	task.clear_ibuf [dreg:s9], $0x6FFFF;
	_ =	strace $0x90000046  }
0xb9: {  	s29 =	simm.s32 $0x9;
	_ =	strace $0x80000048  }
0xba: {  	_ =	swait.ge [sflag:s29], $0x1  }
0xbb: {  	[sflag:s29] =	ssyncadd.s32 $0xFFFFFFFF  }
0xbc: {  	_ =	strace $0x90000048  }
0xbd: {  	_ =	sfence  }
0xbe: {  	s30 =	sld [smem:$0x0];
	_ =	sdelay $0x2  }
0xbf: {  	s31 =	sshll.u32 s1, $0xD;
	s1 =	sshrl.u32 s1, $0x2  }
0xc0: {  	s3 =	sand.u32 $0x4000, s31;
	s1 =	sadd.s32 s1, s30  }
0xc1: {  	s0 =	sor.u32 s3, s0;
	s1 =	sshll.u32 s1, $0x11  }
0xc2: {  	s0 =	sor.u32 s1, s0  }
0xc3: {  	s0 =	sadd.s32 $0x8F2B, s0  }
0xc4: {  	[sflag:s0] =	ssyncadd.remote.s32 $0x1  }
0xc5: {  	_ =	sfence.sel $0xFFFF  }
0xc6: {  	[dreg:$0x0] =	wrdreg $0xFFFFFFFF;
	(pc) =	sbr.abs _section_cstart, $3  }
0xc7: {  	[dreg:$0x1] =	wrdreg $0xFFFFFFFF  }
0xc8: {  	_ =	task.clear_ibuf [dreg:s9], $0x2FFFF;
	_ =	strace $0x9FFFFFFF  }
0xc9: {  	(tm) =	ssettm $0x7FFFFFFF  }
tec
execute0_lowered:
.L_overlay_start_1:
0x0: {  	(tag) =	ssettag $0x1  }
0x1: {  	s1 =	rddreg [dreg:$0x0]  }
0x2: {  	s0 =	rddreg [dreg:$0x1];
	s2 =	srdreg.scid  }
0x3: {  	s12 =	stileid.u32;
	s9 =	rddreg [dreg:$0x2];
	s3 =	simm.s32 $0x0  }
0x4: {  	s13 =	simm.s32 $0x80;
	s14 =	simm.s32 $0x1800;
	s15 =	simm.s32 $0x5800  }
0x5: {  	s17 =	simm.s32 $0x9800;
	s19 =	simm.s32 $0xD800;
	s10 =	smul.u32 $0x180000, s12  }
0x6: {  	s2 =	sand.u32 $0x1, s2;
	s4 =	sshll.u32 s12, $0x1;
	s12 =	smul.u32 $0x30000, s12  }
0x7: {  	s30 =	simm.s32 $0x3;
	s31 =	simm.s32 $0x5;
	s11 =	smul.u32 $0xC0000, s2  }
0x8: {  	s5 =	sor.u32 s2, s4;
	s6 =	ssub.s32 $0x2, s2;
	s2 =	smul.u32 $0x18000, s2  }
0x9: {  	s16 =	simm.s32 $0x6;
	[smem:$0x7FF] =	sst s3;
	s4 =	smul.u32 $0x1800, s5  }
0xa: {  	s18 =	simm.s32 $0x0;
	_ =	strace $0x80000047;
	s8 =	smul.u32 $0xC0000, s5  }
0xb: {  	s7 =	sshrl.u32 s6, $0x1;
	s20 =	smul.u32 $0x18000, s5;
	s26 =	sadd.s32 s12, s9  }
0xc: {  	s12 =	simm.s32 $0x7;
	s6 =	ssub.s32 s6, s7;
	s10 =	sadd.s32 s11, s10  }
0xd: {  	s2 =	sadd.s32 s2, s26;
	s26 =	simm.s32 $0x4;
	s4 =	sshrl.u32 s4, $0x3  }
0xe: {  	s21 =	sor.u32 $0x8000, s8;
	s22 =	smax.u32 s6, $0x1;
	s24 =	sshrl.u32 s8, $0x3  }
0xf: {  	s25 =	sor.u32 $0x20000, s10;
	s10 =	sor.u32 $0x28000, s10;
	s0 =	sadd.s32 s0, s4  }
0x10: {  	[dreg:$0x5] =	wrdreg s22;
	s23 =	sshrl.u32 s21, $0x3;
	s29 =	sshrl.u32 s10, $0x3  }
.Ltmp0:
0x11: {  	s22 =	simm.s32 $0x11800;
	[dreg:$0x4] =	wrdreg s0;
	(pc) =	sbr.rel .LBB2_1-.Ltmp0, $4  }
0x12: {  	s0 =	sadd.s32 s9, s20;
	s7 =	sadd.s32 s9, s23;
	s23 =	sadd.s32 $0x3000, s2  }
0x13: {  	s21 =	sadd.s32 s29, s9;
	[dreg:$0x6] =	wrdreg s0;
	s0 =	sadd.s32 s24, s9  }
0x14: {  	s20 =	simm.s32 $0x1;
	s8 =	sadd.s32 $0x2000, s0;
	s0 =	sshrl.u32 s25, $0x3  }
0x15: {  	s24 =	simm.s32 $0x15800;
	s25 =	simm.s32 $0x2;
	s28 =	sadd.s32 s0, s9  }
.LBB2_4:
0x16: {  	_ =	swait.ge [sflag:s26], $0x8000  }
0x17: {  	[sflag:s26] =	ssyncset.done $0x0  }
0x18: {  	[sflag:s26] =	ssyncadd.s32 $0xFFFF8000  }
0x19: {  	_ =	swait.ge [sflag:s31], $0x8000  }
0x1a: {  	[sflag:s31] =	ssyncset.done $0x0  }
0x1b: {  	[sflag:s31] =	ssyncadd.s32 $0xFFFF8000  }
0x1c: {  	_ =	swait.ge [sflag:s16], $0x8000  }
0x1d: {  	s18 =	sadd.s32 $0x1, s18;
	s0 =	rddreg [dreg:$0x5]  }
0x1e: {  	p0 =	sne.s32 s18, s0  }
.Ltmp1:
0x1f: {  	_ = 	snop;
	(pc) =	sbr.rel @!p0 .LBB2_5-.Ltmp1, $3  }
0x20: {  	_ =	sdelay $0x1  }
0x21: {  	[sflag:s16] =	ssyncset.done $0x0  }
0x22: {  	[sflag:s16] =	ssyncadd.s32 $0xFFFF8000  }
.LBB2_1:
0x23: {  	s0 =	rddreg [dreg:$0x4]  }
0x24: {  	[tilespmem:s3], [sflag:$0x7] =	stream.linear.gather [hbm4b:s0+s3], $0x1800, $0x38;
	[tilespmem:$0x19800] =	vst v63  }
0x25: {  	_ =	swait.ge [sflag:s12], $0x1800  }
0x26: {  	[sflag:s12] =	ssyncset.done $0x0  }
0x27: {  	[sflag:s12] =	ssyncadd.s32 $0xFFFFE800  }
0x28: {  	[tilespmem:s14], [sflag:$0x1] =	stream.indirect.gather [hbm4b:s1+s13], $0x80, s3, s13, $0xb8;
	[tilespmem:$0x19800] =	vst v63  }
0x29: {  	_ = 	snop  }
0x2a: {  	[tilespmem:s15], [sflag:$0x1] =	stream.indirect.gather [hbm4b:s1+s13], $0x80, s13, s13, $0xb8;
	[tilespmem:$0x19800] =	vst v63  }
0x2b: {  	s10 =	simm.s32 $0x100  }
0x2c: {  	[tilespmem:s17], [sflag:$0x2] =	stream.indirect.gather [hbm4b:s1+s13], $0x80, s10, s13, $0xb8;
	[tilespmem:$0x19800] =	vst v63  }
0x2d: {  	s11 =	simm.s32 $0x180  }
0x2e: {  	[tilespmem:s19], [sflag:$0x2] =	stream.indirect.gather [hbm4b:s1+s13], $0x80, s11, s13, $0xb8;
	[tilespmem:$0x19800] =	vst v63  }
0x2f: {  	_ =	swait.ge [sflag:s20], $0x4000  }
0x30: {  	[sflag:s20] =	ssyncset.done $0x0  }
0x31: {  	[sflag:s20] =	ssyncadd.s32 $0xFFFFC000  }
0x32: {  	_ =	swait.ge [sflag:s20], $0x4000  }
0x33: {  	[sflag:s20] =	ssyncset.done $0x0  }
0x34: {  	s2 =	rddreg [dreg:$0x6];
	[sflag:s20] =	ssyncadd.s32 $0xFFFFC000  }
0x35: {  	[hbm4b:s2+s3] =	stream.linear.scatter [tilespmem:s14], [sflag:$0x4], $0x8000, $0x38;
	[tilespmem:$0x19800] =	vst v63  }
0x36: {  	s4 =	simm.s32 $0x200  }
0x37: {  	[tilespmem:s22], [sflag:$0x3] =	stream.indirect.gather [hbm4b:s1+s13], $0x80, s4, s13, $0xb8;
	[tilespmem:$0x19800] =	vst v63  }
0x38: {  	s5 =	simm.s32 $0x280  }
0x39: {  	[tilespmem:s24], [sflag:$0x3] =	stream.indirect.gather [hbm4b:s1+s13], $0x80, s5, s13, $0xb8;
	[tilespmem:$0x19800] =	vst v63  }
0x3a: {  	_ =	swait.ge [sflag:s25], $0x4000  }
0x3b: {  	[sflag:s25] =	ssyncset.done $0x0  }
0x3c: {  	[sflag:s25] =	ssyncadd.s32 $0xFFFFC000  }
0x3d: {  	_ =	swait.ge [sflag:s25], $0x4000  }
0x3e: {  	[sflag:s25] =	ssyncset.done $0x0  }
0x3f: {  	[sflag:s25] =	ssyncadd.s32 $0xFFFFC000  }
0x40: {  	[hbm4b:s7+s3] =	stream.linear.scatter [tilespmem:s17], [sflag:$0x5], $0x8000, $0x38;
	[tilespmem:$0x19800] =	vst v63  }
0x41: {  	_ =	swait.ge [sflag:s26], $0x8000  }
0x42: {  	[sflag:s26] =	ssyncset.done $0x0  }
0x43: {  	s6 =	simm.s32 $0x300;
	[sflag:s26] =	ssyncadd.s32 $0xFFFF8000  }
0x44: {  	[tilespmem:s14], [sflag:$0x1] =	stream.indirect.gather [hbm4b:s1+s13], $0x80, s6, s13, $0xb8;
	[tilespmem:$0x19800] =	vst v63  }
0x45: {  	s9 =	simm.s32 $0x380  }
0x46: {  	[tilespmem:s15], [sflag:$0x1] =	stream.indirect.gather [hbm4b:s1+s13], $0x80, s9, s13, $0xb8;
	[tilespmem:$0x19800] =	vst v63  }
0x47: {  	_ =	swait.ge [sflag:s30], $0x4000  }
0x48: {  	[sflag:s30] =	ssyncset.done $0x0  }
0x49: {  	[sflag:s30] =	ssyncadd.s32 $0xFFFFC000  }
0x4a: {  	_ =	swait.ge [sflag:s30], $0x4000  }
0x4b: {  	[sflag:s30] =	ssyncset.done $0x0  }
0x4c: {  	[sflag:s30] =	ssyncadd.s32 $0xFFFFC000  }
0x4d: {  	[hbm4b:s8+s3] =	stream.linear.scatter [tilespmem:s22], [sflag:$0x6], $0x8000, $0x38;
	[tilespmem:$0x19800] =	vst v63  }
0x4e: {  	_ =	swait.ge [sflag:s31], $0x8000  }
0x4f: {  	[sflag:s31] =	ssyncset.done $0x0  }
0x50: {  	s10 =	simm.s32 $0x400;
	[sflag:s31] =	ssyncadd.s32 $0xFFFF8000  }
0x51: {  	[tilespmem:s17], [sflag:$0x2] =	stream.indirect.gather [hbm4b:s1+s13], $0x80, s10, s13, $0xb8;
	[tilespmem:$0x19800] =	vst v63  }
0x52: {  	s29 =	simm.s32 $0x0;
	s11 =	simm.s32 $0x480  }
0x53: {  	[tilespmem:s19], [sflag:$0x2] =	stream.indirect.gather [hbm4b:s1+s13], $0x80, s11, s13, $0xb8;
	[tilespmem:$0x19800] =	vst v63  }
0x54: {  	s9 =	smov.u32 s28;
	s10 =	smov.u32 s23;
	s11 =	smov.u32 s21  }
.LBB2_2:
0x55: {  	_ =	swait.ge [sflag:s20], $0x4000  }
0x56: {  	[sflag:s20] =	ssyncset.done $0x0  }
0x57: {  	[sflag:s20] =	ssyncadd.s32 $0xFFFFC000  }
0x58: {  	_ =	swait.ge [sflag:s20], $0x4000  }
0x59: {  	[sflag:s20] =	ssyncset.done $0x0  }
0x5a: {  	[sflag:s20] =	ssyncadd.s32 $0xFFFFC000  }
0x5b: {  	[hbm4b:s10+s3] =	stream.linear.scatter [tilespmem:s14], [sflag:$0x4], $0x8000, $0x38;
	[tilespmem:$0x19800] =	vst v63  }
0x5c: {  	_ =	swait.ge [sflag:s16], $0x8000  }
0x5d: {  	s2 =	sshra.s32 s29, $0x2;
	[sflag:s16] =	ssyncset.done $0x0  }
0x5e: {  	s0 =	sadd.s32 $0x500, s2;
	[sflag:s16] =	ssyncadd.s32 $0xFFFF8000  }
0x5f: {  	[tilespmem:s22], [sflag:$0x3] =	stream.indirect.gather [hbm4b:s1+s13], $0x80, s0, s13, $0xb8;
	[tilespmem:$0x19800] =	vst v63  }
0x60: {  	s6 =	sadd.s32 $0x580, s2  }
0x61: {  	[tilespmem:s24], [sflag:$0x3] =	stream.indirect.gather [hbm4b:s1+s13], $0x80, s6, s13, $0xb8;
	[tilespmem:$0x19800] =	vst v63  }
0x62: {  	_ =	swait.ge [sflag:s25], $0x4000  }
0x63: {  	[sflag:s25] =	ssyncset.done $0x0  }
0x64: {  	[sflag:s25] =	ssyncadd.s32 $0xFFFFC000  }
0x65: {  	_ =	swait.ge [sflag:s25], $0x4000  }
0x66: {  	p0 =	seq.s32 s29, $0x4800;
	[sflag:s25] =	ssyncset.done $0x0  }
0x67: {  	s0 =	simm.s32 @!p0 $0x4;
	[sflag:s25] =	ssyncadd.s32 $0xFFFFC000  }
0x68: {  	[hbm4b:s9+s3] =	stream.linear.scatter [tilespmem:s17], [sflag:$0x5], $0x8000, $0x38;
	[tilespmem:$0x19800] =	vst v63  }
0x69: {  	_ =	swait.ge @!p0 [sflag:s0], $0x8000  }
0x6a: {  	[sflag:s0] =	ssyncset.done @!p0 $0x0  }
0x6b: {  	[sflag:s0] =	ssyncadd.s32 @!p0 $0xFFFF8000;
	s0 =	sshra.s32 @!p0 s29, $0x2  }
0x6c: {  	s5 =	simm.s32 @!p0 $0x80;
	s6 =	simm.s32 @!p0 $0x1800;
	s4 =	sadd.s32 @!p0 $0x600, s0  }
0x6d: {  	[tilespmem:s6], [sflag:$0x1] =	stream.indirect.gather @!p0 [hbm4b:s1+s5], $0x80, s4, s5, $0xb8;
	[tilespmem:$0x19800] =	vst v63  }
0x6e: {  	s0 =	sadd.s32 @!p0 $0x680, s0;
	s4 =	simm.s32 @!p0 $0x5800  }
0x6f: {  	[tilespmem:s4], [sflag:$0x1] =	stream.indirect.gather @!p0 [hbm4b:s1+s5], $0x80, s0, s5, $0xb8;
	[tilespmem:$0x19800] =	vst v63  }
0x70: {  	_ =	swait.ge [sflag:s30], $0x4000  }
0x71: {  	[sflag:s30] =	ssyncset.done $0x0  }
.Ltmp2:
0x72: {  	[sflag:s30] =	ssyncadd.s32 $0xFFFFC000;
	(pc) =	sbr.rel @p0 .LBB2_4-.Ltmp2, $4  }
0x73: {  	_ =	swait.ge [sflag:s30], $0x4000  }
0x74: {  	[sflag:s30] =	ssyncset.done $0x0  }
0x75: {  	[sflag:s30] =	ssyncadd.s32 $0xFFFFC000  }
0x76: {  	[hbm4b:s11+s3] =	stream.linear.scatter [tilespmem:s22], [sflag:$0x6], $0x8000, $0x38;
	[tilespmem:$0x19800] =	vst v63  }
0x77: {  	_ =	swait.ge [sflag:s31], $0x8000  }
.Ltmp3:
0x78: {  	s0 =	sadd.s32 $0x700, s2;
	[sflag:s31] =	ssyncset.done $0x0;
	(pc) =	sbr.rel .LBB2_2-.Ltmp3, $4  }
0x79: {  	s6 =	sadd.s32 $0x780, s2;
	s29 =	sadd.s32 $0xC00, s29;
	[sflag:s31] =	ssyncadd.s32 $0xFFFF8000  }
0x7a: {  	[tilespmem:s17], [sflag:$0x2] =	stream.indirect.gather [hbm4b:s1+s13], $0x80, s0, s13, $0xb8;
	[tilespmem:$0x19800] =	vst v63  }
0x7b: {  	s9 =	sadd.s32 $0x3000, s9;
	s10 =	sadd.s32 $0x3000, s10;
	s11 =	sadd.s32 $0x3000, s11  }
0x7c: {  	[tilespmem:s19], [sflag:$0x2] =	stream.indirect.gather [hbm4b:s1+s13], $0x80, s6, s13, $0xb8;
	[tilespmem:$0x19800] =	vst v63  }
.LBB2_5:
0x7d: {  	_ =	sfence.sel $0x180000  }
0x7e: {  	[bflag:$0x0] =	sbarrier.arrive $0xFFFF  }
0x7f: {  	_ =	strace $0x90000047  }
0x80: {  	s0 =	stileid.u32;
	[bflag:$0x2] =	sbarrier.arrive $0xFFFF  }
0x81: {  	p0 =	sne.s32 s0, $0x0;
	s0 =	rddreg [dreg:$0x3]  }
0x82: {  	s0 =	sadd.s32 @!p0 $0x100000, s0  }
0x83: {  	[sflag:s0] =	ssyncadd.tile.s32 @!p0 $0x1;
	_ =	shalt  }
.Lfunc_end2:
_tile_overlayer_lowered:
.L_overlay_start_2:
0x84: {  	(tag) =	ssettag $0x2  }
0x85: {  	s0 =	rddreg [dreg:$0x0];
	s2 =	stileid.u32  }
0x86: {  	s1 =	rddreg [dreg:$0x1];
	p0 =	sne.s32 s2, $0x0  }
0x87: {  	s3 =	rddreg [dreg:$0x2];
	[bflag:$0x3] =	sbarrier.arrive $0xFFFF;
	s2 =	simm.s32 @!p0 $0x1C07  }
0x88: {  	[timem:s3], [sflag:s2] =	dma.local @!p0 [hbm:s0], s1  }
0x89: {  	s0 =	simm.s32 @!p0 $0x7  }
0x8a: {  	_ =	swait.ge @!p0 [sflag:s0], s1  }
0x8b: {  	s1 =	ssub.s32 @!p0 $0x0, s1;
	[sflag:s0] =	ssyncset.done @!p0 $0x0  }
0x8c: {  	[sflag:s0] =	ssyncadd.s32 @!p0 s1  }
0x8d: {  	[bflag:$0x3] =	sbarrier.arrive $0xFFFF  }
0x8e: {  	_ =	shalt  }

</sc_bundles>
